<compile_context>
chip_gen: v7x
topology: tpu7x:2x2x1
jax: 0.10.2.dev20260603
libtpu: 0.0.44.dev20260713+nightly
codegen_flags: <defaults>
</compile_context>

<pallas_src>
import functools

import jax
import jax.numpy as jnp
from jax import lax
from jax.experimental import pallas as pl
from jax.experimental.pallas import tpu as pltpu
from jax.experimental.pallas import tpu_sc as plsc

NC = 2
NS = 16
NW = NC * NS
L = 16
W = 128


def _sc_tile_pos_embed(xt, embr, arf, gatef, n_tiles, n_tok, E, MM):
    TPW = n_tok // NW
    TAIL = n_tok - NW * TPW
    NCH = 4
    CHT = TPW // NCH
    NBI = 3
    assert TPW % NCH == 0 and TAIL <= CHT

    mesh = plsc.VectorSubcoreMesh(
        core_axis_name="c", subcore_axis_name="s",
        num_cores=NC, num_subcores=NS)

    @functools.partial(
        pl.kernel,
        out_type=jax.ShapeDtypeStruct((n_tok, 1, E), jnp.float32),
        mesh=mesh,
        scratch_types=[
            pltpu.VMEM((L,), jnp.int32),
            pltpu.VMEM((L,), jnp.float32),
            pltpu.VMEM((1, 1, E), jnp.float32),
        ] + [pltpu.VMEM((CHT, n_tiles, E), jnp.float32) for _ in range(NBI)]
          + [
            pltpu.SemaphoreType.DMA,
            pltpu.SemaphoreType.DMA,
            pltpu.SemaphoreType.DMA,
        ],
    )
    def k(x_hbm, emb_hbm, ar_hbm, g_hbm, out_hbm, arv, gv, ebuf,
          b0, b1, b2, semx, seme, semo):
        wid = lax.axis_index("s") * NC + lax.axis_index("c")
        tok0 = wid * TPW
        bufs = (b0, b1, b2)

        incopies = [None] * NCH
        for ch in range(min(NBI, NCH)):
            incopies[ch] = pltpu.async_copy(
                x_hbm.at[0, pl.ds(tok0 + ch * CHT, CHT), :, :],
                bufs[ch % NBI], semx)

        pltpu.sync_copy(ar_hbm, arv.at[pl.ds(0, 2)])
        pltpu.sync_copy(g_hbm, gv.at[pl.ds(0, 1)])
        var = arv[...]
        idx_s = var[0] * var[1] - 1
        tile = jnp.clip(idx_s, 0, n_tiles - 1)
        erow = jnp.clip(idx_s, 0, MM - 1)
        ecopy = pltpu.async_copy(emb_hbm.at[pl.ds(erow, 1), :, :], ebuf, seme)

        sx = jnp.full((L,), jnp.where(idx_s < n_tiles, 1.0, 0.0),
                      dtype=jnp.float32)
        g = jnp.full((L,), gv[...][0], dtype=jnp.float32)
        tg = 1.0 - 2.0 / (jnp.exp(g * 2.0) + 1.0)

        ecopy.wait()

        def scale_body(ci, carry):
            o = ci * L
            ebuf[0, 0, pl.ds(o, L)] = ebuf[0, 0, pl.ds(o, L)] * tg
            return carry

        lax.fori_loop(0, E // L, scale_body, 0)

        def compact(buf, nt):
            def ci_body(ci, carry):
                o = ci * L
                eg = ebuf[0, 0, pl.ds(o, L)]
                for t in range(nt):
                    buf[t, tile, pl.ds(o, L)] = (
                        buf[t, tile, pl.ds(o, L)] * sx + eg)
                return carry
            lax.fori_loop(0, E // L, ci_body, 0)

        outcopies = [None] * NCH
        for ch in range(NCH):
            incopies[ch].wait()
            compact(bufs[ch % NBI], CHT)
            outcopies[ch] = pltpu.async_copy(
                bufs[ch % NBI].at[pl.ds(0, CHT), tile, :],
                out_hbm.at[pl.ds(tok0 + ch * CHT, CHT), 0, :], semo)
            if ch + NBI < NCH:
                outcopies[ch].wait()
                incopies[ch + NBI] = pltpu.async_copy(
                    x_hbm.at[0, pl.ds(tok0 + (ch + NBI) * CHT, CHT), :, :],
                    bufs[ch % NBI], semx)

        if TAIL:
            @pl.when(wid == 0)
            def _():
                pltpu.async_copy(
                    x_hbm.at[0, pl.ds(NW * TPW, TAIL), :, :],
                    b0.at[pl.ds(0, TAIL), :, :], semx).wait()
                compact(b0, TAIL)
                pltpu.sync_copy(
                    b0.at[pl.ds(0, TAIL), tile, :],
                    out_hbm.at[pl.ds(NW * TPW, TAIL), 0, :])

        for ch in range(NCH):
            if ch + NBI >= NCH:
                outcopies[ch].wait()

    return k(xt, embr, arf, gatef)


def kernel(x, aspect_ratio, embedding, gate):
    bsz, n_tiles, n_tok, E = x.shape
    M = embedding.shape[0]
    xt = x.transpose(0, 2, 1, 3)
    embr = embedding.astype(jnp.float32).reshape(M * M, 1, E)
    arf = aspect_ratio.astype(jnp.int32).reshape(2)
    gatef = gate.astype(jnp.float32).reshape(1)
    out = _sc_tile_pos_embed(xt, embr, arf, gatef, n_tiles, n_tok, E, M * M)
    return out.reshape(bsz, 1, n_tok, E)

# --- scband reference (transcript-rebuilt; emitter-appended) ---
"""Pipeline reference for scband-tile-positional-embedding-54726473286137 (READ-ONLY COPY).

The authoritative reference and input builder live on the scoring server;
editing this copy changes nothing except your own understanding.
"""

import jax, jax.numpy as jnp
import numpy as np

MAX_NUM_TILES = 4
EMBED_DIM = 1280


def setup_inputs(seed: int = 0) -> dict:
    key = jax.random.key(seed)
    k1, k2 = jax.random.split(key)
    x = jax.random.normal(k1, (1, 4, 1025, 1280), dtype=jnp.float32)
    aspect_ratio = jnp.ones((1, 2), dtype=jnp.int64)
    scale = EMBED_DIM ** (-0.5)
    embedding = scale * jax.random.normal(k2, (MAX_NUM_TILES, MAX_NUM_TILES, 1, EMBED_DIM), dtype=jnp.float32)
    gate = jnp.zeros((1,), dtype=jnp.float32)
    return {"x": x, "aspect_ratio": aspect_ratio, "embedding": embedding, "gate": gate}


def reference(x, aspect_ratio, embedding, gate):
    bsz_and_n_imgs, n_tiles, n_tokens, embed_dim = x.shape
    M = embedding.shape[0]
    assert n_tiles < M * M and n_tiles >= 1
    # pad tile dim up to max_num_tiles^2 (matches F.pad on dim 1)
    x = jnp.pad(x, ((0, 0), (0, M * M - n_tiles), (0, 0), (0, 0)), mode='constant', constant_values=0.0)
    ar = aspect_ratio.astype(jnp.int32)
    for batch_idx in range(bsz_and_n_imgs):
        n_tiles_h = ar[batch_idx, 0]
        n_tiles_w = ar[batch_idx, 1]
        pos_embed = embedding.reshape(M * M, 1, embed_dim)
        x = x.at[batch_idx].add(pos_embed * jnp.tanh(gate))
        n_selected = 1
        indices = jnp.arange(n_selected, dtype=jnp.int32) + (n_tiles_h * n_tiles_w - n_selected)
        x = jnp.take(x, indices, axis=1)
    return x

if __name__ == "__main__":
    import jax
    _d = setup_inputs()
    print(jax.jit(kernel)(*tuple(_d.values())))

</pallas_src>

<mosaic_0001>
#map = affine_map<(d0, d1) -> (0, 0, 0, 0)>
#map1 = affine_map<(d0, d1) -> (0, 0, 0)>
#map2 = affine_map<(d0, d1) -> (0)>
module attributes {stable_mosaic.version = 14 : i64} {
  func.func @k(%arg0: i32, %arg1: i32, %arg2: memref<1x1025x4x1280xf32, #tpu.memory_space<hbm>>, %arg3: memref<16x1x1280xf32, #tpu.memory_space<hbm>>, %arg4: memref<2xi32, #tpu.memory_space<hbm>>, %arg5: memref<1xf32, #tpu.memory_space<hbm>>, %arg6: memref<1025x1x1280xf32, #tpu.memory_space<hbm>>, %arg7: memref<16xi32, #tpu.memory_space<vmem>>, %arg8: memref<16xf32, #tpu.memory_space<vmem>>, %arg9: memref<1x1x1280xf32, #tpu.memory_space<vmem>>, %arg10: memref<8x4x1280xf32, #tpu.memory_space<vmem>>, %arg11: memref<8x4x1280xf32, #tpu.memory_space<vmem>>, %arg12: memref<8x4x1280xf32, #tpu.memory_space<vmem>>, %arg13: memref<!tpu.dma_semaphore, #tpu.memory_space<semaphore_mem>>, %arg14: memref<!tpu.dma_semaphore, #tpu.memory_space<semaphore_mem>>, %arg15: memref<!tpu.dma_semaphore, #tpu.memory_space<semaphore_mem>>) attributes {dimension_semantics = [#tpu.dimension_semantics<core_parallel>, #tpu.dimension_semantics<subcore_parallel>], iteration_bounds = array<i64: 2, 16>, scalar_prefetch = 0 : i64, scratch_operands = 9 : i64, tpu.core_type = #tpu.core_type<sc_vector_subcore>, window_params = [{transform_indices = #map}, {transform_indices = #map1}, {transform_indices = #map2}, {transform_indices = #map2}, {transform_indices = #map1}]} {
    %mul3A = arith.constant 2 : i32
    %mul3A_0 = arith.muli %arg1, %mul3A : i32
    %add3A = arith.addi %mul3A_0, %arg0 : i32
    %mul3A_1 = arith.constant 32 : i32
    %mul3A_2 = arith.muli %add3A, %mul3A_1 : i32
    %add3A_3 = arith.constant 0 : i32
    %add3A_4 = arith.addi %mul3A_2, %add3A_3 : i32
    %dma_start3A = arith.constant 0 : i32
    %dma_start3A_5 = arith.constant 0 : i32
    %dma_start3A_6 = arith.constant 0 : i32
    %dma_start3A_7 = tpu.memref_slice %arg2[%dma_start3A, %add3A_4, %dma_start3A_5, %dma_start3A_6] : memref<1x1025x4x1280xf32, #tpu.memory_space<hbm>> -> memref<1x8x4x1280xf32, #tpu.memory_space<hbm>>
    %dma_start3A_8 = tpu.memref_squeeze %dma_start3A_7 : memref<1x8x4x1280xf32, #tpu.memory_space<hbm>> -> memref<8x4x1280xf32, #tpu.memory_space<hbm>>
    %dma_start3A_9 = arith.constant 0 : i32
    %dma_start3A_10 = arith.constant 0 : i32
    %dma_start3A_11 = tpu.memref_slice %arg2[%dma_start3A, %add3A_4, %dma_start3A_9, %dma_start3A_10] : memref<1x1025x4x1280xf32, #tpu.memory_space<hbm>> -> memref<1x8x4x1280xf32, #tpu.memory_space<hbm>>
    %dma_start3A_12 = tpu.memref_squeeze %dma_start3A_11 : memref<1x8x4x1280xf32, #tpu.memory_space<hbm>> -> memref<8x4x1280xf32, #tpu.memory_space<hbm>>
    tpu.enqueue_dma source(%dma_start3A_12 : memref<8x4x1280xf32, #tpu.memory_space<hbm>>) target(%arg10 : memref<8x4x1280xf32, #tpu.memory_space<vmem>>) target_semaphore(%arg13 : memref<!tpu.dma_semaphore, #tpu.memory_space<semaphore_mem>>)
    %add3A_13 = arith.constant 8 : i32
    %add3A_14 = arith.addi %mul3A_2, %add3A_13 : i32
    %dma_start3A_15 = arith.constant 0 : i32
    %dma_start3A_16 = arith.constant 0 : i32
    %dma_start3A_17 = arith.constant 0 : i32
    %dma_start3A_18 = tpu.memref_slice %arg2[%dma_start3A_15, %add3A_14, %dma_start3A_16, %dma_start3A_17] : memref<1x1025x4x1280xf32, #tpu.memory_space<hbm>> -> memref<1x8x4x1280xf32, #tpu.memory_space<hbm>>
    %dma_start3A_19 = tpu.memref_squeeze %dma_start3A_18 : memref<1x8x4x1280xf32, #tpu.memory_space<hbm>> -> memref<8x4x1280xf32, #tpu.memory_space<hbm>>
    %dma_start3A_20 = arith.constant 0 : i32
    %dma_start3A_21 = arith.constant 0 : i32
    %dma_start3A_22 = tpu.memref_slice %arg2[%dma_start3A_15, %add3A_14, %dma_start3A_20, %dma_start3A_21] : memref<1x1025x4x1280xf32, #tpu.memory_space<hbm>> -> memref<1x8x4x1280xf32, #tpu.memory_space<hbm>>
    %dma_start3A_23 = tpu.memref_squeeze %dma_start3A_22 : memref<1x8x4x1280xf32, #tpu.memory_space<hbm>> -> memref<8x4x1280xf32, #tpu.memory_space<hbm>>
    tpu.enqueue_dma source(%dma_start3A_23 : memref<8x4x1280xf32, #tpu.memory_space<hbm>>) target(%arg11 : memref<8x4x1280xf32, #tpu.memory_space<vmem>>) target_semaphore(%arg13 : memref<!tpu.dma_semaphore, #tpu.memory_space<semaphore_mem>>)
    %add3A_24 = arith.constant 16 : i32
    %add3A_25 = arith.addi %mul3A_2, %add3A_24 : i32
    %dma_start3A_26 = arith.constant 0 : i32
    %dma_start3A_27 = arith.constant 0 : i32
    %dma_start3A_28 = arith.constant 0 : i32
    %dma_start3A_29 = tpu.memref_slice %arg2[%dma_start3A_26, %add3A_25, %dma_start3A_27, %dma_start3A_28] : memref<1x1025x4x1280xf32, #tpu.memory_space<hbm>> -> memref<1x8x4x1280xf32, #tpu.memory_space<hbm>>
    %dma_start3A_30 = tpu.memref_squeeze %dma_start3A_29 : memref<1x8x4x1280xf32, #tpu.memory_space<hbm>> -> memref<8x4x1280xf32, #tpu.memory_space<hbm>>
    %dma_start3A_31 = arith.constant 0 : i32
    %dma_start3A_32 = arith.constant 0 : i32
    %dma_start3A_33 = tpu.memref_slice %arg2[%dma_start3A_26, %add3A_25, %dma_start3A_31, %dma_start3A_32] : memref<1x1025x4x1280xf32, #tpu.memory_space<hbm>> -> memref<1x8x4x1280xf32, #tpu.memory_space<hbm>>
    %dma_start3A_34 = tpu.memref_squeeze %dma_start3A_33 : memref<1x8x4x1280xf32, #tpu.memory_space<hbm>> -> memref<8x4x1280xf32, #tpu.memory_space<hbm>>
    tpu.enqueue_dma source(%dma_start3A_34 : memref<8x4x1280xf32, #tpu.memory_space<hbm>>) target(%arg12 : memref<8x4x1280xf32, #tpu.memory_space<vmem>>) target_semaphore(%arg13 : memref<!tpu.dma_semaphore, #tpu.memory_space<semaphore_mem>>)
    "tpu.region"() ({
      %run_scoped3A = tpu.sem_alloc : memref<!tpu.dma_semaphore, #tpu.memory_space<semaphore_mem>>
      %dma_start3A_283 = arith.constant 0 : i32
      %dma_start3A_284 = tpu.memref_slice %arg7[%dma_start3A_283] : memref<16xi32, #tpu.memory_space<vmem>> -> memref<2xi32, #tpu.memory_space<vmem>>
      %dma_start3A_285 = arith.constant 0 : i32
      %dma_start3A_286 = tpu.memref_slice %arg7[%dma_start3A_285] : memref<16xi32, #tpu.memory_space<vmem>> -> memref<2xi32, #tpu.memory_space<vmem>>
      tpu.enqueue_dma source(%arg4 : memref<2xi32, #tpu.memory_space<hbm>>) target(%dma_start3A_286 : memref<2xi32, #tpu.memory_space<vmem>>) target_semaphore(%run_scoped3A : memref<!tpu.dma_semaphore, #tpu.memory_space<semaphore_mem>>)
      %dma_wait3A_287 = arith.constant 0 : i32
      %dma_wait3A_288 = tpu.memref_slice %arg7[%dma_wait3A_287] : memref<16xi32, #tpu.memory_space<vmem>> -> memref<2xi32, #tpu.memory_space<vmem>>
      %dma_wait3A_289 = arith.constant 0 : i32
      %dma_wait3A_290 = tpu.memref_slice %arg7[%dma_wait3A_289] : memref<16xi32, #tpu.memory_space<vmem>> -> memref<2xi32, #tpu.memory_space<vmem>>
      tpu.wait_dma2 semaphore(%run_scoped3A : memref<!tpu.dma_semaphore, #tpu.memory_space<semaphore_mem>>) src(%arg4 : memref<2xi32, #tpu.memory_space<hbm>>) dst(%dma_wait3A_290 : memref<2xi32, #tpu.memory_space<vmem>>)
      tpu.yield
    }) : () -> ()
    "tpu.region"() ({
      %run_scoped3A = tpu.sem_alloc : memref<!tpu.dma_semaphore, #tpu.memory_space<semaphore_mem>>
      %dma_start3A_283 = arith.constant 0 : i32
      %dma_start3A_284 = tpu.memref_slice %arg8[%dma_start3A_283] : memref<16xf32, #tpu.memory_space<vmem>> -> memref<1xf32, #tpu.memory_space<vmem>>
      %dma_start3A_285 = arith.constant 0 : i32
      %dma_start3A_286 = tpu.memref_slice %arg8[%dma_start3A_285] : memref<16xf32, #tpu.memory_space<vmem>> -> memref<1xf32, #tpu.memory_space<vmem>>
      tpu.enqueue_dma source(%arg5 : memref<1xf32, #tpu.memory_space<hbm>>) target(%dma_start3A_286 : memref<1xf32, #tpu.memory_space<vmem>>) target_semaphore(%run_scoped3A : memref<!tpu.dma_semaphore, #tpu.memory_space<semaphore_mem>>)
      %dma_wait3A_287 = arith.constant 0 : i32
      %dma_wait3A_288 = tpu.memref_slice %arg8[%dma_wait3A_287] : memref<16xf32, #tpu.memory_space<vmem>> -> memref<1xf32, #tpu.memory_space<vmem>>
      %dma_wait3A_289 = arith.constant 0 : i32
      %dma_wait3A_290 = tpu.memref_slice %arg8[%dma_wait3A_289] : memref<16xf32, #tpu.memory_space<vmem>> -> memref<1xf32, #tpu.memory_space<vmem>>
      tpu.wait_dma2 semaphore(%run_scoped3A : memref<!tpu.dma_semaphore, #tpu.memory_space<semaphore_mem>>) src(%arg5 : memref<1xf32, #tpu.memory_space<hbm>>) dst(%dma_wait3A_290 : memref<1xf32, #tpu.memory_space<vmem>>)
      tpu.yield
    }) : () -> ()
    %get3A = arith.constant 0 : index
    %get3A_35 = tpu.vector_load %arg7[%get3A] {strides = array<i32>} : memref<16xi32, #tpu.memory_space<vmem>>, vector<16xi32>,
    %get3A_36 = vector.shape_cast %get3A_35 : vector<16xi32> to vector<16xi32>
    %slice3A = vector.extract_strided_slice %get3A_36 {offsets = [0], sizes = [1], strides = [1]} : vector<16xi32> to vector<1xi32>
    %squeeze3A = vector.extract %slice3A[0] : i32 from vector<1xi32>
    %slice3A_37 = vector.extract_strided_slice %get3A_36 {offsets = [1], sizes = [1], strides = [1]} : vector<16xi32> to vector<1xi32>
    %squeeze3A_38 = vector.extract %slice3A_37[0] : i32 from vector<1xi32>
    %mul3A_39 = arith.muli %squeeze3A, %squeeze3A_38 : i32
    %sub3A = arith.constant 1 : i32
    %sub3A_40 = arith.subi %mul3A_39, %sub3A : i32
    %jit3A = arith.constant 0 : i32
    %jit3A_41 = arith.constant 3 : i32
    %max3A = arith.maxsi %jit3A, %sub3A_40 : i32
    %min3A = arith.minsi %jit3A_41, %max3A : i32
    %jit3A_42 = arith.constant 0 : i32
    %jit3A_43 = arith.constant 15 : i32
    %max3A_44 = arith.maxsi %jit3A_42, %sub3A_40 : i32
    %min3A_45 = arith.minsi %jit3A_43, %max3A_44 : i32
    %dma_start3A_46 = arith.constant 0 : i32
    %dma_start3A_47 = arith.constant 0 : i32
    %dma_start3A_48 = tpu.memref_slice %arg3[%min3A_45, %dma_start3A_46, %dma_start3A_47] : memref<16x1x1280xf32, #tpu.memory_space<hbm>> -> memref<1x1x1280xf32, #tpu.memory_space<hbm>>
    %dma_start3A_49 = arith.constant 0 : i32
    %dma_start3A_50 = arith.constant 0 : i32
    %dma_start3A_51 = tpu.memref_slice %arg3[%min3A_45, %dma_start3A_49, %dma_start3A_50] : memref<16x1x1280xf32, #tpu.memory_space<hbm>> -> memref<1x1x1280xf32, #tpu.memory_space<hbm>>
    tpu.enqueue_dma source(%dma_start3A_51 : memref<1x1x1280xf32, #tpu.memory_space<hbm>>) target(%arg9 : memref<1x1x1280xf32, #tpu.memory_space<vmem>>) target_semaphore(%arg14 : memref<!tpu.dma_semaphore, #tpu.memory_space<semaphore_mem>>)
    %lt3A = arith.constant 4 : i32
    %lt3A_52 = arith.cmpi slt, %sub3A_40, %lt3A : i32
    %jit3A_53 = arith.constant 1.000000e+00 : f32
    %jit3A_54 = arith.constant 0.000000e+00 : f32
    %select_n3A = arith.select %lt3A_52, %jit3A_53, %jit3A_54 : f32
    %broadcast_in_dim3A = vector.broadcast %select_n3A : f32 to vector<16xf32>
    %get3A_55 = arith.constant 0 : index
    %get3A_56 = tpu.vector_load %arg8[%get3A_55] {strides = array<i32>} : memref<16xf32, #tpu.memory_space<vmem>>, vector<16xf32>,
    %get3A_57 = vector.shape_cast %get3A_56 : vector<16xf32> to vector<16xf32>
    %slice3A_58 = vector.extract_strided_slice %get3A_57 {offsets = [0], sizes = [1], strides = [1]} : vector<16xf32> to vector<1xf32>
    %squeeze3A_59 = vector.extract %slice3A_58[0] : f32 from vector<1xf32>
    %broadcast_in_dim3A_60 = vector.broadcast %squeeze3A_59 : f32 to vector<16xf32>
    %mul3A_61 = arith.constant 2.000000e+00 : f32
    %mul3A_62 = vector.broadcast %mul3A_61 : f32 to vector<16xf32>
    %mul3A_63 = arith.mulf %broadcast_in_dim3A_60, %mul3A_62 : vector<16xf32>
    %exp3A = math.exp %mul3A_63 : vector<16xf32>
    %add3A_64 = arith.constant 1.000000e+00 : f32
    %add3A_65 = vector.broadcast %add3A_64 : f32 to vector<16xf32>
    %add3A_66 = arith.addf %exp3A, %add3A_65 : vector<16xf32>
    %div3A = arith.constant 2.000000e+00 : f32
    %div3A_67 = vector.broadcast %div3A : f32 to vector<16xf32>
    %div3A_68 = arith.divf %div3A_67, %add3A_66 : vector<16xf32>
    %sub3A_69 = arith.constant 1.000000e+00 : f32
    %sub3A_70 = vector.broadcast %sub3A_69 : f32 to vector<16xf32>
    %sub3A_71 = arith.subf %sub3A_70, %div3A_68 : vector<16xf32>
    %dma_wait3A = arith.constant 0 : i32
    %dma_wait3A_72 = arith.constant 0 : i32
    %dma_wait3A_73 = tpu.memref_slice %arg3[%min3A_45, %dma_wait3A, %dma_wait3A_72] : memref<16x1x1280xf32, #tpu.memory_space<hbm>> -> memref<1x1x1280xf32, #tpu.memory_space<hbm>>
    %dma_wait3A_74 = arith.constant 0 : i32
    %dma_wait3A_75 = arith.constant 0 : i32
    %dma_wait3A_76 = tpu.memref_slice %arg3[%min3A_45, %dma_wait3A_74, %dma_wait3A_75] : memref<16x1x1280xf32, #tpu.memory_space<hbm>> -> memref<1x1x1280xf32, #tpu.memory_space<hbm>>
    tpu.wait_dma2 semaphore(%arg14 : memref<!tpu.dma_semaphore, #tpu.memory_space<semaphore_mem>>) src(%dma_wait3A_76 : memref<1x1x1280xf32, #tpu.memory_space<hbm>>) dst(%arg9 : memref<1x1x1280xf32, #tpu.memory_space<vmem>>)
    %scan3A = arith.constant 0 : i32
    %scan3A_77 = arith.constant 0 : i32
    %scan3A_78 = arith.constant 80 : i32
    %scan3A_79 = arith.addi %scan3A_77, %scan3A_78 : i32
    %scan3A_80 = arith.constant 1 : i32
    scf.for %scan3A_283 = %scan3A_77 to %scan3A_79 step %scan3A_80  : i32 {
      %mul3A_284 = arith.constant 16 : i32
      %mul3A_285 = arith.muli %scan3A_283, %mul3A_284 : i32
      %get3A_286 = arith.constant 0 : i32
      %get3A_287 = arith.constant 0 : i32
      %get3A_288 = arith.index_cast %get3A_286 : i32 to index
      %get3A_289 = arith.index_cast %get3A_287 : i32 to index
      %get3A_290 = arith.index_cast %mul3A_285 : i32 to index
      %get3A_291 = tpu.vector_load %arg9[%get3A_288, %get3A_289, %get3A_290] {strides = array<i32>} : memref<1x1x1280xf32, #tpu.memory_space<vmem>>, vector<1x1x16xf32>,
      %get3A_292 = vector.shape_cast %get3A_291 : vector<1x1x16xf32> to vector<16xf32>
      %mul3A_293 = arith.mulf %get3A_292, %sub3A_71 : vector<16xf32>
      %swap3A = arith.constant 0 : i32
      %swap3A_294 = arith.constant 0 : i32
      %swap3A_295 = arith.index_cast %swap3A : i32 to index
      %swap3A_296 = arith.index_cast %swap3A_294 : i32 to index
      %swap3A_297 = arith.index_cast %mul3A_285 : i32 to index
      %swap3A_298 = tpu.vector_load %arg9[%swap3A_295, %swap3A_296, %swap3A_297] {strides = array<i32>} : memref<1x1x1280xf32, #tpu.memory_space<vmem>>, vector<1x1x16xf32>,
      %swap3A_299 = vector.shape_cast %swap3A_298 : vector<1x1x16xf32> to vector<16xf32>
      %swap3A_300 = vector.shape_cast %mul3A_293 : vector<16xf32> to vector<1x1x16xf32>
      tpu.vector_store %arg9[%swap3A_295, %swap3A_296, %swap3A_297], %swap3A_300 {strides = array<i32>} : memref<1x1x1280xf32, #tpu.memory_space<vmem>>, vector<1x1x16xf32>,
    }
    %scan3A_81 = arith.constant 80 : i32
    %dma_wait3A_82 = arith.constant 0 : i32
    %dma_wait3A_83 = arith.constant 0 : i32
    %dma_wait3A_84 = arith.constant 0 : i32
    %dma_wait3A_85 = tpu.memref_slice %arg2[%dma_wait3A_82, %add3A_4, %dma_wait3A_83, %dma_wait3A_84] : memref<1x1025x4x1280xf32, #tpu.memory_space<hbm>> -> memref<1x8x4x1280xf32, #tpu.memory_space<hbm>>
    %dma_wait3A_86 = tpu.memref_squeeze %dma_wait3A_85 : memref<1x8x4x1280xf32, #tpu.memory_space<hbm>> -> memref<8x4x1280xf32, #tpu.memory_space<hbm>>
    %dma_wait3A_87 = arith.constant 0 : i32
    %dma_wait3A_88 = arith.constant 0 : i32
    %dma_wait3A_89 = tpu.memref_slice %arg2[%dma_wait3A_82, %add3A_4, %dma_wait3A_87, %dma_wait3A_88] : memref<1x1025x4x1280xf32, #tpu.memory_space<hbm>> -> memref<1x8x4x1280xf32, #tpu.memory_space<hbm>>
    %dma_wait3A_90 = tpu.memref_squeeze %dma_wait3A_89 : memref<1x8x4x1280xf32, #tpu.memory_space<hbm>> -> memref<8x4x1280xf32, #tpu.memory_space<hbm>>
    tpu.wait_dma2 semaphore(%arg13 : memref<!tpu.dma_semaphore, #tpu.memory_space<semaphore_mem>>) src(%dma_wait3A_90 : memref<8x4x1280xf32, #tpu.memory_space<hbm>>) dst(%arg10 : memref<8x4x1280xf32, #tpu.memory_space<vmem>>)
    %scan3A_91 = arith.constant 0 : i32
    %scan3A_92 = arith.constant 0 : i32
    %scan3A_93 = arith.constant 80 : i32
    %scan3A_94 = arith.addi %scan3A_92, %scan3A_93 : i32
    %scan3A_95 = arith.constant 1 : i32
    scf.for %scan3A_283 = %scan3A_92 to %scan3A_94 step %scan3A_95  : i32 {
      %mul3A_284 = arith.constant 16 : i32
      %mul3A_285 = arith.muli %scan3A_283, %mul3A_284 : i32
      %get3A_286 = arith.constant 0 : i32
      %get3A_287 = arith.constant 0 : i32
      %get3A_288 = arith.index_cast %get3A_286 : i32 to index
      %get3A_289 = arith.index_cast %get3A_287 : i32 to index
      %get3A_290 = arith.index_cast %mul3A_285 : i32 to index
      %get3A_291 = tpu.vector_load %arg9[%get3A_288, %get3A_289, %get3A_290] {strides = array<i32>} : memref<1x1x1280xf32, #tpu.memory_space<vmem>>, vector<1x1x16xf32>,
      %get3A_292 = vector.shape_cast %get3A_291 : vector<1x1x16xf32> to vector<16xf32>
      %get3A_293 = arith.constant 0 : i32
      %get3A_294 = arith.index_cast %get3A_293 : i32 to index
      %get3A_295 = arith.index_cast %min3A : i32 to index
      %get3A_296 = arith.index_cast %mul3A_285 : i32 to index
      %get3A_297 = tpu.vector_load %arg10[%get3A_294, %get3A_295, %get3A_296] {strides = array<i32>} : memref<8x4x1280xf32, #tpu.memory_space<vmem>>, vector<1x1x16xf32>,
      %get3A_298 = vector.shape_cast %get3A_297 : vector<1x1x16xf32> to vector<16xf32>
      %mul3A_299 = arith.mulf %get3A_298, %broadcast_in_dim3A : vector<16xf32>
      %add3A_300 = arith.addf %mul3A_299, %get3A_292 : vector<16xf32>
      %swap3A = arith.constant 0 : i32
      %swap3A_301 = arith.index_cast %swap3A : i32 to index
      %swap3A_302 = arith.index_cast %min3A : i32 to index
      %swap3A_303 = arith.index_cast %mul3A_285 : i32 to index
      %swap3A_304 = tpu.vector_load %arg10[%swap3A_301, %swap3A_302, %swap3A_303] {strides = array<i32>} : memref<8x4x1280xf32, #tpu.memory_space<vmem>>, vector<1x1x16xf32>,
      %swap3A_305 = vector.shape_cast %swap3A_304 : vector<1x1x16xf32> to vector<16xf32>
      %swap3A_306 = vector.shape_cast %add3A_300 : vector<16xf32> to vector<1x1x16xf32>
      tpu.vector_store %arg10[%swap3A_301, %swap3A_302, %swap3A_303], %swap3A_306 {strides = array<i32>} : memref<8x4x1280xf32, #tpu.memory_space<vmem>>, vector<1x1x16xf32>,
      %get3A_307 = arith.constant 1 : i32
      %get3A_308 = arith.index_cast %get3A_307 : i32 to index
      %get3A_309 = arith.index_cast %min3A : i32 to index
      %get3A_310 = arith.index_cast %mul3A_285 : i32 to index
      %get3A_311 = tpu.vector_load %arg10[%get3A_308, %get3A_309, %get3A_310] {strides = array<i32>} : memref<8x4x1280xf32, #tpu.memory_space<vmem>>, vector<1x1x16xf32>,
      %get3A_312 = vector.shape_cast %get3A_311 : vector<1x1x16xf32> to vector<16xf32>
      %mul3A_313 = arith.mulf %get3A_312, %broadcast_in_dim3A : vector<16xf32>
      %add3A_314 = arith.addf %mul3A_313, %get3A_292 : vector<16xf32>
      %swap3A_315 = arith.constant 1 : i32
      %swap3A_316 = arith.index_cast %swap3A_315 : i32 to index
      %swap3A_317 = arith.index_cast %min3A : i32 to index
      %swap3A_318 = arith.index_cast %mul3A_285 : i32 to index
      %swap3A_319 = tpu.vector_load %arg10[%swap3A_316, %swap3A_317, %swap3A_318] {strides = array<i32>} : memref<8x4x1280xf32, #tpu.memory_space<vmem>>, vector<1x1x16xf32>,
      %swap3A_320 = vector.shape_cast %swap3A_319 : vector<1x1x16xf32> to vector<16xf32>
      %swap3A_321 = vector.shape_cast %add3A_314 : vector<16xf32> to vector<1x1x16xf32>
      tpu.vector_store %arg10[%swap3A_316, %swap3A_317, %swap3A_318], %swap3A_321 {strides = array<i32>} : memref<8x4x1280xf32, #tpu.memory_space<vmem>>, vector<1x1x16xf32>,
      %get3A_322 = arith.constant 2 : i32
      %get3A_323 = arith.index_cast %get3A_322 : i32 to index
      %get3A_324 = arith.index_cast %min3A : i32 to index
      %get3A_325 = arith.index_cast %mul3A_285 : i32 to index
      %get3A_326 = tpu.vector_load %arg10[%get3A_323, %get3A_324, %get3A_325] {strides = array<i32>} : memref<8x4x1280xf32, #tpu.memory_space<vmem>>, vector<1x1x16xf32>,
      %get3A_327 = vector.shape_cast %get3A_326 : vector<1x1x16xf32> to vector<16xf32>
      %mul3A_328 = arith.mulf %get3A_327, %broadcast_in_dim3A : vector<16xf32>
      %add3A_329 = arith.addf %mul3A_328, %get3A_292 : vector<16xf32>
      %swap3A_330 = arith.constant 2 : i32
      %swap3A_331 = arith.index_cast %swap3A_330 : i32 to index
      %swap3A_332 = arith.index_cast %min3A : i32 to index
      %swap3A_333 = arith.index_cast %mul3A_285 : i32 to index
      %swap3A_334 = tpu.vector_load %arg10[%swap3A_331, %swap3A_332, %swap3A_333] {strides = array<i32>} : memref<8x4x1280xf32, #tpu.memory_space<vmem>>, vector<1x1x16xf32>,
      %swap3A_335 = vector.shape_cast %swap3A_334 : vector<1x1x16xf32> to vector<16xf32>
      %swap3A_336 = vector.shape_cast %add3A_329 : vector<16xf32> to vector<1x1x16xf32>
      tpu.vector_store %arg10[%swap3A_331, %swap3A_332, %swap3A_333], %swap3A_336 {strides = array<i32>} : memref<8x4x1280xf32, #tpu.memory_space<vmem>>, vector<1x1x16xf32>,
      %get3A_337 = arith.constant 3 : i32
      %get3A_338 = arith.index_cast %get3A_337 : i32 to index
      %get3A_339 = arith.index_cast %min3A : i32 to index
      %get3A_340 = arith.index_cast %mul3A_285 : i32 to index
      %get3A_341 = tpu.vector_load %arg10[%get3A_338, %get3A_339, %get3A_340] {strides = array<i32>} : memref<8x4x1280xf32, #tpu.memory_space<vmem>>, vector<1x1x16xf32>,
      %get3A_342 = vector.shape_cast %get3A_341 : vector<1x1x16xf32> to vector<16xf32>
      %mul3A_343 = arith.mulf %get3A_342, %broadcast_in_dim3A : vector<16xf32>
      %add3A_344 = arith.addf %mul3A_343, %get3A_292 : vector<16xf32>
      %swap3A_345 = arith.constant 3 : i32
      %swap3A_346 = arith.index_cast %swap3A_345 : i32 to index
      %swap3A_347 = arith.index_cast %min3A : i32 to index
      %swap3A_348 = arith.index_cast %mul3A_285 : i32 to index
      %swap3A_349 = tpu.vector_load %arg10[%swap3A_346, %swap3A_347, %swap3A_348] {strides = array<i32>} : memref<8x4x1280xf32, #tpu.memory_space<vmem>>, vector<1x1x16xf32>,
      %swap3A_350 = vector.shape_cast %swap3A_349 : vector<1x1x16xf32> to vector<16xf32>
      %swap3A_351 = vector.shape_cast %add3A_344 : vector<16xf32> to vector<1x1x16xf32>
      tpu.vector_store %arg10[%swap3A_346, %swap3A_347, %swap3A_348], %swap3A_351 {strides = array<i32>} : memref<8x4x1280xf32, #tpu.memory_space<vmem>>, vector<1x1x16xf32>,
      %get3A_352 = arith.constant 4 : i32
      %get3A_353 = arith.index_cast %get3A_352 : i32 to index
      %get3A_354 = arith.index_cast %min3A : i32 to index
      %get3A_355 = arith.index_cast %mul3A_285 : i32 to index
      %get3A_356 = tpu.vector_load %arg10[%get3A_353, %get3A_354, %get3A_355] {strides = array<i32>} : memref<8x4x1280xf32, #tpu.memory_space<vmem>>, vector<1x1x16xf32>,
      %get3A_357 = vector.shape_cast %get3A_356 : vector<1x1x16xf32> to vector<16xf32>
      %mul3A_358 = arith.mulf %get3A_357, %broadcast_in_dim3A : vector<16xf32>
      %add3A_359 = arith.addf %mul3A_358, %get3A_292 : vector<16xf32>
      %swap3A_360 = arith.constant 4 : i32
      %swap3A_361 = arith.index_cast %swap3A_360 : i32 to index
      %swap3A_362 = arith.index_cast %min3A : i32 to index
      %swap3A_363 = arith.index_cast %mul3A_285 : i32 to index
      %swap3A_364 = tpu.vector_load %arg10[%swap3A_361, %swap3A_362, %swap3A_363] {strides = array<i32>} : memref<8x4x1280xf32, #tpu.memory_space<vmem>>, vector<1x1x16xf32>,
      %swap3A_365 = vector.shape_cast %swap3A_364 : vector<1x1x16xf32> to vector<16xf32>
      %swap3A_366 = vector.shape_cast %add3A_359 : vector<16xf32> to vector<1x1x16xf32>
      tpu.vector_store %arg10[%swap3A_361, %swap3A_362, %swap3A_363], %swap3A_366 {strides = array<i32>} : memref<8x4x1280xf32, #tpu.memory_space<vmem>>, vector<1x1x16xf32>,
      %get3A_367 = arith.constant 5 : i32
      %get3A_368 = arith.index_cast %get3A_367 : i32 to index
      %get3A_369 = arith.index_cast %min3A : i32 to index
      %get3A_370 = arith.index_cast %mul3A_285 : i32 to index
      %get3A_371 = tpu.vector_load %arg10[%get3A_368, %get3A_369, %get3A_370] {strides = array<i32>} : memref<8x4x1280xf32, #tpu.memory_space<vmem>>, vector<1x1x16xf32>,
      %get3A_372 = vector.shape_cast %get3A_371 : vector<1x1x16xf32> to vector<16xf32>
      %mul3A_373 = arith.mulf %get3A_372, %broadcast_in_dim3A : vector<16xf32>
      %add3A_374 = arith.addf %mul3A_373, %get3A_292 : vector<16xf32>
      %swap3A_375 = arith.constant 5 : i32
      %swap3A_376 = arith.index_cast %swap3A_375 : i32 to index
      %swap3A_377 = arith.index_cast %min3A : i32 to index
      %swap3A_378 = arith.index_cast %mul3A_285 : i32 to index
      %swap3A_379 = tpu.vector_load %arg10[%swap3A_376, %swap3A_377, %swap3A_378] {strides = array<i32>} : memref<8x4x1280xf32, #tpu.memory_space<vmem>>, vector<1x1x16xf32>,
      %swap3A_380 = vector.shape_cast %swap3A_379 : vector<1x1x16xf32> to vector<16xf32>
      %swap3A_381 = vector.shape_cast %add3A_374 : vector<16xf32> to vector<1x1x16xf32>
      tpu.vector_store %arg10[%swap3A_376, %swap3A_377, %swap3A_378], %swap3A_381 {strides = array<i32>} : memref<8x4x1280xf32, #tpu.memory_space<vmem>>, vector<1x1x16xf32>,
      %get3A_382 = arith.constant 6 : i32
      %get3A_383 = arith.index_cast %get3A_382 : i32 to index
      %get3A_384 = arith.index_cast %min3A : i32 to index
      %get3A_385 = arith.index_cast %mul3A_285 : i32 to index
      %get3A_386 = tpu.vector_load %arg10[%get3A_383, %get3A_384, %get3A_385] {strides = array<i32>} : memref<8x4x1280xf32, #tpu.memory_space<vmem>>, vector<1x1x16xf32>,
      %get3A_387 = vector.shape_cast %get3A_386 : vector<1x1x16xf32> to vector<16xf32>
      %mul3A_388 = arith.mulf %get3A_387, %broadcast_in_dim3A : vector<16xf32>
      %add3A_389 = arith.addf %mul3A_388, %get3A_292 : vector<16xf32>
      %swap3A_390 = arith.constant 6 : i32
      %swap3A_391 = arith.index_cast %swap3A_390 : i32 to index
      %swap3A_392 = arith.index_cast %min3A : i32 to index
      %swap3A_393 = arith.index_cast %mul3A_285 : i32 to index
      %swap3A_394 = tpu.vector_load %arg10[%swap3A_391, %swap3A_392, %swap3A_393] {strides = array<i32>} : memref<8x4x1280xf32, #tpu.memory_space<vmem>>, vector<1x1x16xf32>,
      %swap3A_395 = vector.shape_cast %swap3A_394 : vector<1x1x16xf32> to vector<16xf32>
      %swap3A_396 = vector.shape_cast %add3A_389 : vector<16xf32> to vector<1x1x16xf32>
      tpu.vector_store %arg10[%swap3A_391, %swap3A_392, %swap3A_393], %swap3A_396 {strides = array<i32>} : memref<8x4x1280xf32, #tpu.memory_space<vmem>>, vector<1x1x16xf32>,
      %get3A_397 = arith.constant 7 : i32
      %get3A_398 = arith.index_cast %get3A_397 : i32 to index
      %get3A_399 = arith.index_cast %min3A : i32 to index
      %get3A_400 = arith.index_cast %mul3A_285 : i32 to index
      %get3A_401 = tpu.vector_load %arg10[%get3A_398, %get3A_399, %get3A_400] {strides = array<i32>} : memref<8x4x1280xf32, #tpu.memory_space<vmem>>, vector<1x1x16xf32>,
      %get3A_402 = vector.shape_cast %get3A_401 : vector<1x1x16xf32> to vector<16xf32>
      %mul3A_403 = arith.mulf %get3A_402, %broadcast_in_dim3A : vector<16xf32>
      %add3A_404 = arith.addf %mul3A_403, %get3A_292 : vector<16xf32>
      %swap3A_405 = arith.constant 7 : i32
      %swap3A_406 = arith.index_cast %swap3A_405 : i32 to index
      %swap3A_407 = arith.index_cast %min3A : i32 to index
      %swap3A_408 = arith.index_cast %mul3A_285 : i32 to index
      %swap3A_409 = tpu.vector_load %arg10[%swap3A_406, %swap3A_407, %swap3A_408] {strides = array<i32>} : memref<8x4x1280xf32, #tpu.memory_space<vmem>>, vector<1x1x16xf32>,
      %swap3A_410 = vector.shape_cast %swap3A_409 : vector<1x1x16xf32> to vector<16xf32>
      %swap3A_411 = vector.shape_cast %add3A_404 : vector<16xf32> to vector<1x1x16xf32>
      tpu.vector_store %arg10[%swap3A_406, %swap3A_407, %swap3A_408], %swap3A_411 {strides = array<i32>} : memref<8x4x1280xf32, #tpu.memory_space<vmem>>, vector<1x1x16xf32>,
    }
    %scan3A_96 = arith.constant 80 : i32
    %add3A_97 = arith.constant 0 : i32
    %add3A_98 = arith.addi %mul3A_2, %add3A_97 : i32
    %dma_start3A_99 = arith.constant 0 : i32
    %dma_start3A_100 = arith.constant 0 : i32
    %dma_start3A_101 = arith.constant 0 : i32
    %dma_start3A_102 = tpu.memref_slice %arg10[%dma_start3A_100, %min3A, %dma_start3A_101] : memref<8x4x1280xf32, #tpu.memory_space<vmem>> -> memref<8x1x1280xf32, #tpu.memory_space<vmem>>
    %dma_start3A_103 = tpu.memref_squeeze %dma_start3A_102 : memref<8x1x1280xf32, #tpu.memory_space<vmem>> -> memref<8x1280xf32, #tpu.memory_space<vmem>>
    %dma_start3A_104 = arith.constant 0 : i32
    %dma_start3A_105 = tpu.memref_slice %arg6[%add3A_98, %dma_start3A_99, %dma_start3A_104] : memref<1025x1x1280xf32, #tpu.memory_space<hbm>> -> memref<8x1x1280xf32, #tpu.memory_space<hbm>>
    %dma_start3A_106 = tpu.memref_squeeze %dma_start3A_105 : memref<8x1x1280xf32, #tpu.memory_space<hbm>> -> memref<8x1280xf32, #tpu.memory_space<hbm>>
    %dma_start3A_107 = arith.constant 0 : i32
    %dma_start3A_108 = tpu.memref_slice %arg6[%add3A_98, %dma_start3A_99, %dma_start3A_107] : memref<1025x1x1280xf32, #tpu.memory_space<hbm>> -> memref<8x1x1280xf32, #tpu.memory_space<hbm>>
    %dma_start3A_109 = tpu.memref_squeeze %dma_start3A_108 : memref<8x1x1280xf32, #tpu.memory_space<hbm>> -> memref<8x1280xf32, #tpu.memory_space<hbm>>
    %dma_start3A_110 = arith.constant 0 : i32
    %dma_start3A_111 = arith.constant 0 : i32
    %dma_start3A_112 = tpu.memref_slice %arg10[%dma_start3A_110, %min3A, %dma_start3A_111] : memref<8x4x1280xf32, #tpu.memory_space<vmem>> -> memref<8x1x1280xf32, #tpu.memory_space<vmem>>
    %dma_start3A_113 = tpu.memref_squeeze %dma_start3A_112 : memref<8x1x1280xf32, #tpu.memory_space<vmem>> -> memref<8x1280xf32, #tpu.memory_space<vmem>>
    tpu.enqueue_dma source(%dma_start3A_113 : memref<8x1280xf32, #tpu.memory_space<vmem>>) target(%dma_start3A_109 : memref<8x1280xf32, #tpu.memory_space<hbm>>) target_semaphore(%arg15 : memref<!tpu.dma_semaphore, #tpu.memory_space<semaphore_mem>>)
    %dma_wait3A_114 = arith.constant 0 : i32
    %dma_wait3A_115 = arith.constant 0 : i32
    %dma_wait3A_116 = arith.constant 0 : i32
    %dma_wait3A_117 = tpu.memref_slice %arg10[%dma_wait3A_115, %min3A, %dma_wait3A_116] : memref<8x4x1280xf32, #tpu.memory_space<vmem>> -> memref<8x1x1280xf32, #tpu.memory_space<vmem>>
    %dma_wait3A_118 = tpu.memref_squeeze %dma_wait3A_117 : memref<8x1x1280xf32, #tpu.memory_space<vmem>> -> memref<8x1280xf32, #tpu.memory_space<vmem>>
    %dma_wait3A_119 = arith.constant 0 : i32
    %dma_wait3A_120 = tpu.memref_slice %arg6[%add3A_98, %dma_wait3A_114, %dma_wait3A_119] : memref<1025x1x1280xf32, #tpu.memory_space<hbm>> -> memref<8x1x1280xf32, #tpu.memory_space<hbm>>
    %dma_wait3A_121 = tpu.memref_squeeze %dma_wait3A_120 : memref<8x1x1280xf32, #tpu.memory_space<hbm>> -> memref<8x1280xf32, #tpu.memory_space<hbm>>
    %dma_wait3A_122 = arith.constant 0 : i32
    %dma_wait3A_123 = tpu.memref_slice %arg6[%add3A_98, %dma_wait3A_114, %dma_wait3A_122] : memref<1025x1x1280xf32, #tpu.memory_space<hbm>> -> memref<8x1x1280xf32, #tpu.memory_space<hbm>>
    %dma_wait3A_124 = tpu.memref_squeeze %dma_wait3A_123 : memref<8x1x1280xf32, #tpu.memory_space<hbm>> -> memref<8x1280xf32, #tpu.memory_space<hbm>>
    %dma_wait3A_125 = arith.constant 0 : i32
    %dma_wait3A_126 = arith.constant 0 : i32
    %dma_wait3A_127 = tpu.memref_slice %arg10[%dma_wait3A_125, %min3A, %dma_wait3A_126] : memref<8x4x1280xf32, #tpu.memory_space<vmem>> -> memref<8x1x1280xf32, #tpu.memory_space<vmem>>
    %dma_wait3A_128 = tpu.memref_squeeze %dma_wait3A_127 : memref<8x1x1280xf32, #tpu.memory_space<vmem>> -> memref<8x1280xf32, #tpu.memory_space<vmem>>
    tpu.wait_dma2 semaphore(%arg15 : memref<!tpu.dma_semaphore, #tpu.memory_space<semaphore_mem>>) src(%dma_wait3A_128 : memref<8x1280xf32, #tpu.memory_space<vmem>>) dst(%dma_wait3A_124 : memref<8x1280xf32, #tpu.memory_space<hbm>>)
    %add3A_129 = arith.constant 24 : i32
    %add3A_130 = arith.addi %mul3A_2, %add3A_129 : i32
    %dma_start3A_131 = arith.constant 0 : i32
    %dma_start3A_132 = arith.constant 0 : i32
    %dma_start3A_133 = arith.constant 0 : i32
    %dma_start3A_134 = tpu.memref_slice %arg2[%dma_start3A_131, %add3A_130, %dma_start3A_132, %dma_start3A_133] : memref<1x1025x4x1280xf32, #tpu.memory_space<hbm>> -> memref<1x8x4x1280xf32, #tpu.memory_space<hbm>>
    %dma_start3A_135 = tpu.memref_squeeze %dma_start3A_134 : memref<1x8x4x1280xf32, #tpu.memory_space<hbm>> -> memref<8x4x1280xf32, #tpu.memory_space<hbm>>
    %dma_start3A_136 = arith.constant 0 : i32
    %dma_start3A_137 = arith.constant 0 : i32
    %dma_start3A_138 = tpu.memref_slice %arg2[%dma_start3A_131, %add3A_130, %dma_start3A_136, %dma_start3A_137] : memref<1x1025x4x1280xf32, #tpu.memory_space<hbm>> -> memref<1x8x4x1280xf32, #tpu.memory_space<hbm>>
    %dma_start3A_139 = tpu.memref_squeeze %dma_start3A_138 : memref<1x8x4x1280xf32, #tpu.memory_space<hbm>> -> memref<8x4x1280xf32, #tpu.memory_space<hbm>>
    tpu.enqueue_dma source(%dma_start3A_139 : memref<8x4x1280xf32, #tpu.memory_space<hbm>>) target(%arg10 : memref<8x4x1280xf32, #tpu.memory_space<vmem>>) target_semaphore(%arg13 : memref<!tpu.dma_semaphore, #tpu.memory_space<semaphore_mem>>)
    %dma_wait3A_140 = arith.constant 0 : i32
    %dma_wait3A_141 = arith.constant 0 : i32
    %dma_wait3A_142 = arith.constant 0 : i32
    %dma_wait3A_143 = tpu.memref_slice %arg2[%dma_wait3A_140, %add3A_14, %dma_wait3A_141, %dma_wait3A_142] : memref<1x1025x4x1280xf32, #tpu.memory_space<hbm>> -> memref<1x8x4x1280xf32, #tpu.memory_space<hbm>>
    %dma_wait3A_144 = tpu.memref_squeeze %dma_wait3A_143 : memref<1x8x4x1280xf32, #tpu.memory_space<hbm>> -> memref<8x4x1280xf32, #tpu.memory_space<hbm>>
    %dma_wait3A_145 = arith.constant 0 : i32
    %dma_wait3A_146 = arith.constant 0 : i32
    %dma_wait3A_147 = tpu.memref_slice %arg2[%dma_wait3A_140, %add3A_14, %dma_wait3A_145, %dma_wait3A_146] : memref<1x1025x4x1280xf32, #tpu.memory_space<hbm>> -> memref<1x8x4x1280xf32, #tpu.memory_space<hbm>>
    %dma_wait3A_148 = tpu.memref_squeeze %dma_wait3A_147 : memref<1x8x4x1280xf32, #tpu.memory_space<hbm>> -> memref<8x4x1280xf32, #tpu.memory_space<hbm>>
    tpu.wait_dma2 semaphore(%arg13 : memref<!tpu.dma_semaphore, #tpu.memory_space<semaphore_mem>>) src(%dma_wait3A_148 : memref<8x4x1280xf32, #tpu.memory_space<hbm>>) dst(%arg11 : memref<8x4x1280xf32, #tpu.memory_space<vmem>>)
    %scan3A_149 = arith.constant 0 : i32
    %scan3A_150 = arith.constant 0 : i32
    %scan3A_151 = arith.constant 80 : i32
    %scan3A_152 = arith.addi %scan3A_150, %scan3A_151 : i32
    %scan3A_153 = arith.constant 1 : i32
    scf.for %scan3A_283 = %scan3A_150 to %scan3A_152 step %scan3A_153  : i32 {
      %mul3A_284 = arith.constant 16 : i32
      %mul3A_285 = arith.muli %scan3A_283, %mul3A_284 : i32
      %get3A_286 = arith.constant 0 : i32
      %get3A_287 = arith.constant 0 : i32
      %get3A_288 = arith.index_cast %get3A_286 : i32 to index
      %get3A_289 = arith.index_cast %get3A_287 : i32 to index
      %get3A_290 = arith.index_cast %mul3A_285 : i32 to index
      %get3A_291 = tpu.vector_load %arg9[%get3A_288, %get3A_289, %get3A_290] {strides = array<i32>} : memref<1x1x1280xf32, #tpu.memory_space<vmem>>, vector<1x1x16xf32>,
      %get3A_292 = vector.shape_cast %get3A_291 : vector<1x1x16xf32> to vector<16xf32>
      %get3A_293 = arith.constant 0 : i32
      %get3A_294 = arith.index_cast %get3A_293 : i32 to index
      %get3A_295 = arith.index_cast %min3A : i32 to index
      %get3A_296 = arith.index_cast %mul3A_285 : i32 to index
      %get3A_297 = tpu.vector_load %arg11[%get3A_294, %get3A_295, %get3A_296] {strides = array<i32>} : memref<8x4x1280xf32, #tpu.memory_space<vmem>>, vector<1x1x16xf32>,
      %get3A_298 = vector.shape_cast %get3A_297 : vector<1x1x16xf32> to vector<16xf32>
      %mul3A_299 = arith.mulf %get3A_298, %broadcast_in_dim3A : vector<16xf32>
      %add3A_300 = arith.addf %mul3A_299, %get3A_292 : vector<16xf32>
      %swap3A = arith.constant 0 : i32
      %swap3A_301 = arith.index_cast %swap3A : i32 to index
      %swap3A_302 = arith.index_cast %min3A : i32 to index
      %swap3A_303 = arith.index_cast %mul3A_285 : i32 to index
      %swap3A_304 = tpu.vector_load %arg11[%swap3A_301, %swap3A_302, %swap3A_303] {strides = array<i32>} : memref<8x4x1280xf32, #tpu.memory_space<vmem>>, vector<1x1x16xf32>,
      %swap3A_305 = vector.shape_cast %swap3A_304 : vector<1x1x16xf32> to vector<16xf32>
      %swap3A_306 = vector.shape_cast %add3A_300 : vector<16xf32> to vector<1x1x16xf32>
      tpu.vector_store %arg11[%swap3A_301, %swap3A_302, %swap3A_303], %swap3A_306 {strides = array<i32>} : memref<8x4x1280xf32, #tpu.memory_space<vmem>>, vector<1x1x16xf32>,
      %get3A_307 = arith.constant 1 : i32
      %get3A_308 = arith.index_cast %get3A_307 : i32 to index
      %get3A_309 = arith.index_cast %min3A : i32 to index
      %get3A_310 = arith.index_cast %mul3A_285 : i32 to index
      %get3A_311 = tpu.vector_load %arg11[%get3A_308, %get3A_309, %get3A_310] {strides = array<i32>} : memref<8x4x1280xf32, #tpu.memory_space<vmem>>, vector<1x1x16xf32>,
      %get3A_312 = vector.shape_cast %get3A_311 : vector<1x1x16xf32> to vector<16xf32>
      %mul3A_313 = arith.mulf %get3A_312, %broadcast_in_dim3A : vector<16xf32>
      %add3A_314 = arith.addf %mul3A_313, %get3A_292 : vector<16xf32>
      %swap3A_315 = arith.constant 1 : i32
      %swap3A_316 = arith.index_cast %swap3A_315 : i32 to index
      %swap3A_317 = arith.index_cast %min3A : i32 to index
      %swap3A_318 = arith.index_cast %mul3A_285 : i32 to index
      %swap3A_319 = tpu.vector_load %arg11[%swap3A_316, %swap3A_317, %swap3A_318] {strides = array<i32>} : memref<8x4x1280xf32, #tpu.memory_space<vmem>>, vector<1x1x16xf32>,
      %swap3A_320 = vector.shape_cast %swap3A_319 : vector<1x1x16xf32> to vector<16xf32>
      %swap3A_321 = vector.shape_cast %add3A_314 : vector<16xf32> to vector<1x1x16xf32>
      tpu.vector_store %arg11[%swap3A_316, %swap3A_317, %swap3A_318], %swap3A_321 {strides = array<i32>} : memref<8x4x1280xf32, #tpu.memory_space<vmem>>, vector<1x1x16xf32>,
      %get3A_322 = arith.constant 2 : i32
      %get3A_323 = arith.index_cast %get3A_322 : i32 to index
      %get3A_324 = arith.index_cast %min3A : i32 to index
      %get3A_325 = arith.index_cast %mul3A_285 : i32 to index
      %get3A_326 = tpu.vector_load %arg11[%get3A_323, %get3A_324, %get3A_325] {strides = array<i32>} : memref<8x4x1280xf32, #tpu.memory_space<vmem>>, vector<1x1x16xf32>,
      %get3A_327 = vector.shape_cast %get3A_326 : vector<1x1x16xf32> to vector<16xf32>
      %mul3A_328 = arith.mulf %get3A_327, %broadcast_in_dim3A : vector<16xf32>
      %add3A_329 = arith.addf %mul3A_328, %get3A_292 : vector<16xf32>
      %swap3A_330 = arith.constant 2 : i32
      %swap3A_331 = arith.index_cast %swap3A_330 : i32 to index
      %swap3A_332 = arith.index_cast %min3A : i32 to index
      %swap3A_333 = arith.index_cast %mul3A_285 : i32 to index
      %swap3A_334 = tpu.vector_load %arg11[%swap3A_331, %swap3A_332, %swap3A_333] {strides = array<i32>} : memref<8x4x1280xf32, #tpu.memory_space<vmem>>, vector<1x1x16xf32>,
      %swap3A_335 = vector.shape_cast %swap3A_334 : vector<1x1x16xf32> to vector<16xf32>
      %swap3A_336 = vector.shape_cast %add3A_329 : vector<16xf32> to vector<1x1x16xf32>
      tpu.vector_store %arg11[%swap3A_331, %swap3A_332, %swap3A_333], %swap3A_336 {strides = array<i32>} : memref<8x4x1280xf32, #tpu.memory_space<vmem>>, vector<1x1x16xf32>,
      %get3A_337 = arith.constant 3 : i32
      %get3A_338 = arith.index_cast %get3A_337 : i32 to index
      %get3A_339 = arith.index_cast %min3A : i32 to index
      %get3A_340 = arith.index_cast %mul3A_285 : i32 to index
      %get3A_341 = tpu.vector_load %arg11[%get3A_338, %get3A_339, %get3A_340] {strides = array<i32>} : memref<8x4x1280xf32, #tpu.memory_space<vmem>>, vector<1x1x16xf32>,
      %get3A_342 = vector.shape_cast %get3A_341 : vector<1x1x16xf32> to vector<16xf32>
      %mul3A_343 = arith.mulf %get3A_342, %broadcast_in_dim3A : vector<16xf32>
      %add3A_344 = arith.addf %mul3A_343, %get3A_292 : vector<16xf32>
      %swap3A_345 = arith.constant 3 : i32
      %swap3A_346 = arith.index_cast %swap3A_345 : i32 to index
      %swap3A_347 = arith.index_cast %min3A : i32 to index
      %swap3A_348 = arith.index_cast %mul3A_285 : i32 to index
      %swap3A_349 = tpu.vector_load %arg11[%swap3A_346, %swap3A_347, %swap3A_348] {strides = array<i32>} : memref<8x4x1280xf32, #tpu.memory_space<vmem>>, vector<1x1x16xf32>,
      %swap3A_350 = vector.shape_cast %swap3A_349 : vector<1x1x16xf32> to vector<16xf32>
      %swap3A_351 = vector.shape_cast %add3A_344 : vector<16xf32> to vector<1x1x16xf32>
      tpu.vector_store %arg11[%swap3A_346, %swap3A_347, %swap3A_348], %swap3A_351 {strides = array<i32>} : memref<8x4x1280xf32, #tpu.memory_space<vmem>>, vector<1x1x16xf32>,
      %get3A_352 = arith.constant 4 : i32
      %get3A_353 = arith.index_cast %get3A_352 : i32 to index
      %get3A_354 = arith.index_cast %min3A : i32 to index
      %get3A_355 = arith.index_cast %mul3A_285 : i32 to index
      %get3A_356 = tpu.vector_load %arg11[%get3A_353, %get3A_354, %get3A_355] {strides = array<i32>} : memref<8x4x1280xf32, #tpu.memory_space<vmem>>, vector<1x1x16xf32>,
      %get3A_357 = vector.shape_cast %get3A_356 : vector<1x1x16xf32> to vector<16xf32>
      %mul3A_358 = arith.mulf %get3A_357, %broadcast_in_dim3A : vector<16xf32>
      %add3A_359 = arith.addf %mul3A_358, %get3A_292 : vector<16xf32>
      %swap3A_360 = arith.constant 4 : i32
      %swap3A_361 = arith.index_cast %swap3A_360 : i32 to index
      %swap3A_362 = arith.index_cast %min3A : i32 to index
      %swap3A_363 = arith.index_cast %mul3A_285 : i32 to index
      %swap3A_364 = tpu.vector_load %arg11[%swap3A_361, %swap3A_362, %swap3A_363] {strides = array<i32>} : memref<8x4x1280xf32, #tpu.memory_space<vmem>>, vector<1x1x16xf32>,
      %swap3A_365 = vector.shape_cast %swap3A_364 : vector<1x1x16xf32> to vector<16xf32>
      %swap3A_366 = vector.shape_cast %add3A_359 : vector<16xf32> to vector<1x1x16xf32>
      tpu.vector_store %arg11[%swap3A_361, %swap3A_362, %swap3A_363], %swap3A_366 {strides = array<i32>} : memref<8x4x1280xf32, #tpu.memory_space<vmem>>, vector<1x1x16xf32>,
      %get3A_367 = arith.constant 5 : i32
      %get3A_368 = arith.index_cast %get3A_367 : i32 to index
      %get3A_369 = arith.index_cast %min3A : i32 to index
      %get3A_370 = arith.index_cast %mul3A_285 : i32 to index
      %get3A_371 = tpu.vector_load %arg11[%get3A_368, %get3A_369, %get3A_370] {strides = array<i32>} : memref<8x4x1280xf32, #tpu.memory_space<vmem>>, vector<1x1x16xf32>,
      %get3A_372 = vector.shape_cast %get3A_371 : vector<1x1x16xf32> to vector<16xf32>
      %mul3A_373 = arith.mulf %get3A_372, %broadcast_in_dim3A : vector<16xf32>
      %add3A_374 = arith.addf %mul3A_373, %get3A_292 : vector<16xf32>
      %swap3A_375 = arith.constant 5 : i32
      %swap3A_376 = arith.index_cast %swap3A_375 : i32 to index
      %swap3A_377 = arith.index_cast %min3A : i32 to index
      %swap3A_378 = arith.index_cast %mul3A_285 : i32 to index
      %swap3A_379 = tpu.vector_load %arg11[%swap3A_376, %swap3A_377, %swap3A_378] {strides = array<i32>} : memref<8x4x1280xf32, #tpu.memory_space<vmem>>, vector<1x1x16xf32>,
      %swap3A_380 = vector.shape_cast %swap3A_379 : vector<1x1x16xf32> to vector<16xf32>
      %swap3A_381 = vector.shape_cast %add3A_374 : vector<16xf32> to vector<1x1x16xf32>
      tpu.vector_store %arg11[%swap3A_376, %swap3A_377, %swap3A_378], %swap3A_381 {strides = array<i32>} : memref<8x4x1280xf32, #tpu.memory_space<vmem>>, vector<1x1x16xf32>,
      %get3A_382 = arith.constant 6 : i32
      %get3A_383 = arith.index_cast %get3A_382 : i32 to index
      %get3A_384 = arith.index_cast %min3A : i32 to index
      %get3A_385 = arith.index_cast %mul3A_285 : i32 to index
      %get3A_386 = tpu.vector_load %arg11[%get3A_383, %get3A_384, %get3A_385] {strides = array<i32>} : memref<8x4x1280xf32, #tpu.memory_space<vmem>>, vector<1x1x16xf32>,
      %get3A_387 = vector.shape_cast %get3A_386 : vector<1x1x16xf32> to vector<16xf32>
      %mul3A_388 = arith.mulf %get3A_387, %broadcast_in_dim3A : vector<16xf32>
      %add3A_389 = arith.addf %mul3A_388, %get3A_292 : vector<16xf32>
      %swap3A_390 = arith.constant 6 : i32
      %swap3A_391 = arith.index_cast %swap3A_390 : i32 to index
      %swap3A_392 = arith.index_cast %min3A : i32 to index
      %swap3A_393 = arith.index_cast %mul3A_285 : i32 to index
      %swap3A_394 = tpu.vector_load %arg11[%swap3A_391, %swap3A_392, %swap3A_393] {strides = array<i32>} : memref<8x4x1280xf32, #tpu.memory_space<vmem>>, vector<1x1x16xf32>,
      %swap3A_395 = vector.shape_cast %swap3A_394 : vector<1x1x16xf32> to vector<16xf32>
      %swap3A_396 = vector.shape_cast %add3A_389 : vector<16xf32> to vector<1x1x16xf32>
      tpu.vector_store %arg11[%swap3A_391, %swap3A_392, %swap3A_393], %swap3A_396 {strides = array<i32>} : memref<8x4x1280xf32, #tpu.memory_space<vmem>>, vector<1x1x16xf32>,
      %get3A_397 = arith.constant 7 : i32
      %get3A_398 = arith.index_cast %get3A_397 : i32 to index
      %get3A_399 = arith.index_cast %min3A : i32 to index
      %get3A_400 = arith.index_cast %mul3A_285 : i32 to index
      %get3A_401 = tpu.vector_load %arg11[%get3A_398, %get3A_399, %get3A_400] {strides = array<i32>} : memref<8x4x1280xf32, #tpu.memory_space<vmem>>, vector<1x1x16xf32>,
      %get3A_402 = vector.shape_cast %get3A_401 : vector<1x1x16xf32> to vector<16xf32>
      %mul3A_403 = arith.mulf %get3A_402, %broadcast_in_dim3A : vector<16xf32>
      %add3A_404 = arith.addf %mul3A_403, %get3A_292 : vector<16xf32>
      %swap3A_405 = arith.constant 7 : i32
      %swap3A_406 = arith.index_cast %swap3A_405 : i32 to index
      %swap3A_407 = arith.index_cast %min3A : i32 to index
      %swap3A_408 = arith.index_cast %mul3A_285 : i32 to index
      %swap3A_409 = tpu.vector_load %arg11[%swap3A_406, %swap3A_407, %swap3A_408] {strides = array<i32>} : memref<8x4x1280xf32, #tpu.memory_space<vmem>>, vector<1x1x16xf32>,
      %swap3A_410 = vector.shape_cast %swap3A_409 : vector<1x1x16xf32> to vector<16xf32>
      %swap3A_411 = vector.shape_cast %add3A_404 : vector<16xf32> to vector<1x1x16xf32>
      tpu.vector_store %arg11[%swap3A_406, %swap3A_407, %swap3A_408], %swap3A_411 {strides = array<i32>} : memref<8x4x1280xf32, #tpu.memory_space<vmem>>, vector<1x1x16xf32>,
    }
    %scan3A_154 = arith.constant 80 : i32
    %add3A_155 = arith.constant 8 : i32
    %add3A_156 = arith.addi %mul3A_2, %add3A_155 : i32
    %dma_start3A_157 = arith.constant 0 : i32
    %dma_start3A_158 = arith.constant 0 : i32
    %dma_start3A_159 = arith.constant 0 : i32
    %dma_start3A_160 = tpu.memref_slice %arg11[%dma_start3A_158, %min3A, %dma_start3A_159] : memref<8x4x1280xf32, #tpu.memory_space<vmem>> -> memref<8x1x1280xf32, #tpu.memory_space<vmem>>
    %dma_start3A_161 = tpu.memref_squeeze %dma_start3A_160 : memref<8x1x1280xf32, #tpu.memory_space<vmem>> -> memref<8x1280xf32, #tpu.memory_space<vmem>>
    %dma_start3A_162 = arith.constant 0 : i32
    %dma_start3A_163 = tpu.memref_slice %arg6[%add3A_156, %dma_start3A_157, %dma_start3A_162] : memref<1025x1x1280xf32, #tpu.memory_space<hbm>> -> memref<8x1x1280xf32, #tpu.memory_space<hbm>>
    %dma_start3A_164 = tpu.memref_squeeze %dma_start3A_163 : memref<8x1x1280xf32, #tpu.memory_space<hbm>> -> memref<8x1280xf32, #tpu.memory_space<hbm>>
    %dma_start3A_165 = arith.constant 0 : i32
    %dma_start3A_166 = tpu.memref_slice %arg6[%add3A_156, %dma_start3A_157, %dma_start3A_165] : memref<1025x1x1280xf32, #tpu.memory_space<hbm>> -> memref<8x1x1280xf32, #tpu.memory_space<hbm>>
    %dma_start3A_167 = tpu.memref_squeeze %dma_start3A_166 : memref<8x1x1280xf32, #tpu.memory_space<hbm>> -> memref<8x1280xf32, #tpu.memory_space<hbm>>
    %dma_start3A_168 = arith.constant 0 : i32
    %dma_start3A_169 = arith.constant 0 : i32
    %dma_start3A_170 = tpu.memref_slice %arg11[%dma_start3A_168, %min3A, %dma_start3A_169] : memref<8x4x1280xf32, #tpu.memory_space<vmem>> -> memref<8x1x1280xf32, #tpu.memory_space<vmem>>
    %dma_start3A_171 = tpu.memref_squeeze %dma_start3A_170 : memref<8x1x1280xf32, #tpu.memory_space<vmem>> -> memref<8x1280xf32, #tpu.memory_space<vmem>>
    tpu.enqueue_dma source(%dma_start3A_171 : memref<8x1280xf32, #tpu.memory_space<vmem>>) target(%dma_start3A_167 : memref<8x1280xf32, #tpu.memory_space<hbm>>) target_semaphore(%arg15 : memref<!tpu.dma_semaphore, #tpu.memory_space<semaphore_mem>>)
    %dma_wait3A_172 = arith.constant 0 : i32
    %dma_wait3A_173 = arith.constant 0 : i32
    %dma_wait3A_174 = arith.constant 0 : i32
    %dma_wait3A_175 = tpu.memref_slice %arg2[%dma_wait3A_172, %add3A_25, %dma_wait3A_173, %dma_wait3A_174] : memref<1x1025x4x1280xf32, #tpu.memory_space<hbm>> -> memref<1x8x4x1280xf32, #tpu.memory_space<hbm>>
    %dma_wait3A_176 = tpu.memref_squeeze %dma_wait3A_175 : memref<1x8x4x1280xf32, #tpu.memory_space<hbm>> -> memref<8x4x1280xf32, #tpu.memory_space<hbm>>
    %dma_wait3A_177 = arith.constant 0 : i32
    %dma_wait3A_178 = arith.constant 0 : i32
    %dma_wait3A_179 = tpu.memref_slice %arg2[%dma_wait3A_172, %add3A_25, %dma_wait3A_177, %dma_wait3A_178] : memref<1x1025x4x1280xf32, #tpu.memory_space<hbm>> -> memref<1x8x4x1280xf32, #tpu.memory_space<hbm>>
    %dma_wait3A_180 = tpu.memref_squeeze %dma_wait3A_179 : memref<1x8x4x1280xf32, #tpu.memory_space<hbm>> -> memref<8x4x1280xf32, #tpu.memory_space<hbm>>
    tpu.wait_dma2 semaphore(%arg13 : memref<!tpu.dma_semaphore, #tpu.memory_space<semaphore_mem>>) src(%dma_wait3A_180 : memref<8x4x1280xf32, #tpu.memory_space<hbm>>) dst(%arg12 : memref<8x4x1280xf32, #tpu.memory_space<vmem>>)
    %scan3A_181 = arith.constant 0 : i32
    %scan3A_182 = arith.constant 0 : i32
    %scan3A_183 = arith.constant 80 : i32
    %scan3A_184 = arith.addi %scan3A_182, %scan3A_183 : i32
    %scan3A_185 = arith.constant 1 : i32
    scf.for %scan3A_283 = %scan3A_182 to %scan3A_184 step %scan3A_185  : i32 {
      %mul3A_284 = arith.constant 16 : i32
      %mul3A_285 = arith.muli %scan3A_283, %mul3A_284 : i32
      %get3A_286 = arith.constant 0 : i32
      %get3A_287 = arith.constant 0 : i32
      %get3A_288 = arith.index_cast %get3A_286 : i32 to index
      %get3A_289 = arith.index_cast %get3A_287 : i32 to index
      %get3A_290 = arith.index_cast %mul3A_285 : i32 to index
      %get3A_291 = tpu.vector_load %arg9[%get3A_288, %get3A_289, %get3A_290] {strides = array<i32>} : memref<1x1x1280xf32, #tpu.memory_space<vmem>>, vector<1x1x16xf32>,
      %get3A_292 = vector.shape_cast %get3A_291 : vector<1x1x16xf32> to vector<16xf32>
      %get3A_293 = arith.constant 0 : i32
      %get3A_294 = arith.index_cast %get3A_293 : i32 to index
      %get3A_295 = arith.index_cast %min3A : i32 to index
      %get3A_296 = arith.index_cast %mul3A_285 : i32 to index
      %get3A_297 = tpu.vector_load %arg12[%get3A_294, %get3A_295, %get3A_296] {strides = array<i32>} : memref<8x4x1280xf32, #tpu.memory_space<vmem>>, vector<1x1x16xf32>,
      %get3A_298 = vector.shape_cast %get3A_297 : vector<1x1x16xf32> to vector<16xf32>
      %mul3A_299 = arith.mulf %get3A_298, %broadcast_in_dim3A : vector<16xf32>
      %add3A_300 = arith.addf %mul3A_299, %get3A_292 : vector<16xf32>
      %swap3A = arith.constant 0 : i32
      %swap3A_301 = arith.index_cast %swap3A : i32 to index
      %swap3A_302 = arith.index_cast %min3A : i32 to index
      %swap3A_303 = arith.index_cast %mul3A_285 : i32 to index
      %swap3A_304 = tpu.vector_load %arg12[%swap3A_301, %swap3A_302, %swap3A_303] {strides = array<i32>} : memref<8x4x1280xf32, #tpu.memory_space<vmem>>, vector<1x1x16xf32>,
      %swap3A_305 = vector.shape_cast %swap3A_304 : vector<1x1x16xf32> to vector<16xf32>
      %swap3A_306 = vector.shape_cast %add3A_300 : vector<16xf32> to vector<1x1x16xf32>
      tpu.vector_store %arg12[%swap3A_301, %swap3A_302, %swap3A_303], %swap3A_306 {strides = array<i32>} : memref<8x4x1280xf32, #tpu.memory_space<vmem>>, vector<1x1x16xf32>,
      %get3A_307 = arith.constant 1 : i32
      %get3A_308 = arith.index_cast %get3A_307 : i32 to index
      %get3A_309 = arith.index_cast %min3A : i32 to index
      %get3A_310 = arith.index_cast %mul3A_285 : i32 to index
      %get3A_311 = tpu.vector_load %arg12[%get3A_308, %get3A_309, %get3A_310] {strides = array<i32>} : memref<8x4x1280xf32, #tpu.memory_space<vmem>>, vector<1x1x16xf32>,
      %get3A_312 = vector.shape_cast %get3A_311 : vector<1x1x16xf32> to vector<16xf32>
      %mul3A_313 = arith.mulf %get3A_312, %broadcast_in_dim3A : vector<16xf32>
      %add3A_314 = arith.addf %mul3A_313, %get3A_292 : vector<16xf32>
      %swap3A_315 = arith.constant 1 : i32
      %swap3A_316 = arith.index_cast %swap3A_315 : i32 to index
      %swap3A_317 = arith.index_cast %min3A : i32 to index
      %swap3A_318 = arith.index_cast %mul3A_285 : i32 to index
      %swap3A_319 = tpu.vector_load %arg12[%swap3A_316, %swap3A_317, %swap3A_318] {strides = array<i32>} : memref<8x4x1280xf32, #tpu.memory_space<vmem>>, vector<1x1x16xf32>,
      %swap3A_320 = vector.shape_cast %swap3A_319 : vector<1x1x16xf32> to vector<16xf32>
      %swap3A_321 = vector.shape_cast %add3A_314 : vector<16xf32> to vector<1x1x16xf32>
      tpu.vector_store %arg12[%swap3A_316, %swap3A_317, %swap3A_318], %swap3A_321 {strides = array<i32>} : memref<8x4x1280xf32, #tpu.memory_space<vmem>>, vector<1x1x16xf32>,
      %get3A_322 = arith.constant 2 : i32
      %get3A_323 = arith.index_cast %get3A_322 : i32 to index
      %get3A_324 = arith.index_cast %min3A : i32 to index
      %get3A_325 = arith.index_cast %mul3A_285 : i32 to index
      %get3A_326 = tpu.vector_load %arg12[%get3A_323, %get3A_324, %get3A_325] {strides = array<i32>} : memref<8x4x1280xf32, #tpu.memory_space<vmem>>, vector<1x1x16xf32>,
      %get3A_327 = vector.shape_cast %get3A_326 : vector<1x1x16xf32> to vector<16xf32>
      %mul3A_328 = arith.mulf %get3A_327, %broadcast_in_dim3A : vector<16xf32>
      %add3A_329 = arith.addf %mul3A_328, %get3A_292 : vector<16xf32>
      %swap3A_330 = arith.constant 2 : i32
      %swap3A_331 = arith.index_cast %swap3A_330 : i32 to index
      %swap3A_332 = arith.index_cast %min3A : i32 to index
      %swap3A_333 = arith.index_cast %mul3A_285 : i32 to index
      %swap3A_334 = tpu.vector_load %arg12[%swap3A_331, %swap3A_332, %swap3A_333] {strides = array<i32>} : memref<8x4x1280xf32, #tpu.memory_space<vmem>>, vector<1x1x16xf32>,
      %swap3A_335 = vector.shape_cast %swap3A_334 : vector<1x1x16xf32> to vector<16xf32>
      %swap3A_336 = vector.shape_cast %add3A_329 : vector<16xf32> to vector<1x1x16xf32>
      tpu.vector_store %arg12[%swap3A_331, %swap3A_332, %swap3A_333], %swap3A_336 {strides = array<i32>} : memref<8x4x1280xf32, #tpu.memory_space<vmem>>, vector<1x1x16xf32>,
      %get3A_337 = arith.constant 3 : i32
      %get3A_338 = arith.index_cast %get3A_337 : i32 to index
      %get3A_339 = arith.index_cast %min3A : i32 to index
      %get3A_340 = arith.index_cast %mul3A_285 : i32 to index
      %get3A_341 = tpu.vector_load %arg12[%get3A_338, %get3A_339, %get3A_340] {strides = array<i32>} : memref<8x4x1280xf32, #tpu.memory_space<vmem>>, vector<1x1x16xf32>,
      %get3A_342 = vector.shape_cast %get3A_341 : vector<1x1x16xf32> to vector<16xf32>
      %mul3A_343 = arith.mulf %get3A_342, %broadcast_in_dim3A : vector<16xf32>
      %add3A_344 = arith.addf %mul3A_343, %get3A_292 : vector<16xf32>
      %swap3A_345 = arith.constant 3 : i32
      %swap3A_346 = arith.index_cast %swap3A_345 : i32 to index
      %swap3A_347 = arith.index_cast %min3A : i32 to index
      %swap3A_348 = arith.index_cast %mul3A_285 : i32 to index
      %swap3A_349 = tpu.vector_load %arg12[%swap3A_346, %swap3A_347, %swap3A_348] {strides = array<i32>} : memref<8x4x1280xf32, #tpu.memory_space<vmem>>, vector<1x1x16xf32>,
      %swap3A_350 = vector.shape_cast %swap3A_349 : vector<1x1x16xf32> to vector<16xf32>
      %swap3A_351 = vector.shape_cast %add3A_344 : vector<16xf32> to vector<1x1x16xf32>
      tpu.vector_store %arg12[%swap3A_346, %swap3A_347, %swap3A_348], %swap3A_351 {strides = array<i32>} : memref<8x4x1280xf32, #tpu.memory_space<vmem>>, vector<1x1x16xf32>,
      %get3A_352 = arith.constant 4 : i32
      %get3A_353 = arith.index_cast %get3A_352 : i32 to index
      %get3A_354 = arith.index_cast %min3A : i32 to index
      %get3A_355 = arith.index_cast %mul3A_285 : i32 to index
      %get3A_356 = tpu.vector_load %arg12[%get3A_353, %get3A_354, %get3A_355] {strides = array<i32>} : memref<8x4x1280xf32, #tpu.memory_space<vmem>>, vector<1x1x16xf32>,
      %get3A_357 = vector.shape_cast %get3A_356 : vector<1x1x16xf32> to vector<16xf32>
      %mul3A_358 = arith.mulf %get3A_357, %broadcast_in_dim3A : vector<16xf32>
      %add3A_359 = arith.addf %mul3A_358, %get3A_292 : vector<16xf32>
      %swap3A_360 = arith.constant 4 : i32
      %swap3A_361 = arith.index_cast %swap3A_360 : i32 to index
      %swap3A_362 = arith.index_cast %min3A : i32 to index
      %swap3A_363 = arith.index_cast %mul3A_285 : i32 to index
      %swap3A_364 = tpu.vector_load %arg12[%swap3A_361, %swap3A_362, %swap3A_363] {strides = array<i32>} : memref<8x4x1280xf32, #tpu.memory_space<vmem>>, vector<1x1x16xf32>,
      %swap3A_365 = vector.shape_cast %swap3A_364 : vector<1x1x16xf32> to vector<16xf32>
      %swap3A_366 = vector.shape_cast %add3A_359 : vector<16xf32> to vector<1x1x16xf32>
      tpu.vector_store %arg12[%swap3A_361, %swap3A_362, %swap3A_363], %swap3A_366 {strides = array<i32>} : memref<8x4x1280xf32, #tpu.memory_space<vmem>>, vector<1x1x16xf32>,
      %get3A_367 = arith.constant 5 : i32
      %get3A_368 = arith.index_cast %get3A_367 : i32 to index
      %get3A_369 = arith.index_cast %min3A : i32 to index
      %get3A_370 = arith.index_cast %mul3A_285 : i32 to index
      %get3A_371 = tpu.vector_load %arg12[%get3A_368, %get3A_369, %get3A_370] {strides = array<i32>} : memref<8x4x1280xf32, #tpu.memory_space<vmem>>, vector<1x1x16xf32>,
      %get3A_372 = vector.shape_cast %get3A_371 : vector<1x1x16xf32> to vector<16xf32>
      %mul3A_373 = arith.mulf %get3A_372, %broadcast_in_dim3A : vector<16xf32>
      %add3A_374 = arith.addf %mul3A_373, %get3A_292 : vector<16xf32>
      %swap3A_375 = arith.constant 5 : i32
      %swap3A_376 = arith.index_cast %swap3A_375 : i32 to index
      %swap3A_377 = arith.index_cast %min3A : i32 to index
      %swap3A_378 = arith.index_cast %mul3A_285 : i32 to index
      %swap3A_379 = tpu.vector_load %arg12[%swap3A_376, %swap3A_377, %swap3A_378] {strides = array<i32>} : memref<8x4x1280xf32, #tpu.memory_space<vmem>>, vector<1x1x16xf32>,
      %swap3A_380 = vector.shape_cast %swap3A_379 : vector<1x1x16xf32> to vector<16xf32>
      %swap3A_381 = vector.shape_cast %add3A_374 : vector<16xf32> to vector<1x1x16xf32>
      tpu.vector_store %arg12[%swap3A_376, %swap3A_377, %swap3A_378], %swap3A_381 {strides = array<i32>} : memref<8x4x1280xf32, #tpu.memory_space<vmem>>, vector<1x1x16xf32>,
      %get3A_382 = arith.constant 6 : i32
      %get3A_383 = arith.index_cast %get3A_382 : i32 to index
      %get3A_384 = arith.index_cast %min3A : i32 to index
      %get3A_385 = arith.index_cast %mul3A_285 : i32 to index
      %get3A_386 = tpu.vector_load %arg12[%get3A_383, %get3A_384, %get3A_385] {strides = array<i32>} : memref<8x4x1280xf32, #tpu.memory_space<vmem>>, vector<1x1x16xf32>,
      %get3A_387 = vector.shape_cast %get3A_386 : vector<1x1x16xf32> to vector<16xf32>
      %mul3A_388 = arith.mulf %get3A_387, %broadcast_in_dim3A : vector<16xf32>
      %add3A_389 = arith.addf %mul3A_388, %get3A_292 : vector<16xf32>
      %swap3A_390 = arith.constant 6 : i32
      %swap3A_391 = arith.index_cast %swap3A_390 : i32 to index
      %swap3A_392 = arith.index_cast %min3A : i32 to index
      %swap3A_393 = arith.index_cast %mul3A_285 : i32 to index
      %swap3A_394 = tpu.vector_load %arg12[%swap3A_391, %swap3A_392, %swap3A_393] {strides = array<i32>} : memref<8x4x1280xf32, #tpu.memory_space<vmem>>, vector<1x1x16xf32>,
      %swap3A_395 = vector.shape_cast %swap3A_394 : vector<1x1x16xf32> to vector<16xf32>
      %swap3A_396 = vector.shape_cast %add3A_389 : vector<16xf32> to vector<1x1x16xf32>
      tpu.vector_store %arg12[%swap3A_391, %swap3A_392, %swap3A_393], %swap3A_396 {strides = array<i32>} : memref<8x4x1280xf32, #tpu.memory_space<vmem>>, vector<1x1x16xf32>,
      %get3A_397 = arith.constant 7 : i32
      %get3A_398 = arith.index_cast %get3A_397 : i32 to index
      %get3A_399 = arith.index_cast %min3A : i32 to index
      %get3A_400 = arith.index_cast %mul3A_285 : i32 to index
      %get3A_401 = tpu.vector_load %arg12[%get3A_398, %get3A_399, %get3A_400] {strides = array<i32>} : memref<8x4x1280xf32, #tpu.memory_space<vmem>>, vector<1x1x16xf32>,
      %get3A_402 = vector.shape_cast %get3A_401 : vector<1x1x16xf32> to vector<16xf32>
      %mul3A_403 = arith.mulf %get3A_402, %broadcast_in_dim3A : vector<16xf32>
      %add3A_404 = arith.addf %mul3A_403, %get3A_292 : vector<16xf32>
      %swap3A_405 = arith.constant 7 : i32
      %swap3A_406 = arith.index_cast %swap3A_405 : i32 to index
      %swap3A_407 = arith.index_cast %min3A : i32 to index
      %swap3A_408 = arith.index_cast %mul3A_285 : i32 to index
      %swap3A_409 = tpu.vector_load %arg12[%swap3A_406, %swap3A_407, %swap3A_408] {strides = array<i32>} : memref<8x4x1280xf32, #tpu.memory_space<vmem>>, vector<1x1x16xf32>,
      %swap3A_410 = vector.shape_cast %swap3A_409 : vector<1x1x16xf32> to vector<16xf32>
      %swap3A_411 = vector.shape_cast %add3A_404 : vector<16xf32> to vector<1x1x16xf32>
      tpu.vector_store %arg12[%swap3A_406, %swap3A_407, %swap3A_408], %swap3A_411 {strides = array<i32>} : memref<8x4x1280xf32, #tpu.memory_space<vmem>>, vector<1x1x16xf32>,
    }
    %scan3A_186 = arith.constant 80 : i32
    %add3A_187 = arith.constant 16 : i32
    %add3A_188 = arith.addi %mul3A_2, %add3A_187 : i32
    %dma_start3A_189 = arith.constant 0 : i32
    %dma_start3A_190 = arith.constant 0 : i32
    %dma_start3A_191 = arith.constant 0 : i32
    %dma_start3A_192 = tpu.memref_slice %arg12[%dma_start3A_190, %min3A, %dma_start3A_191] : memref<8x4x1280xf32, #tpu.memory_space<vmem>> -> memref<8x1x1280xf32, #tpu.memory_space<vmem>>
    %dma_start3A_193 = tpu.memref_squeeze %dma_start3A_192 : memref<8x1x1280xf32, #tpu.memory_space<vmem>> -> memref<8x1280xf32, #tpu.memory_space<vmem>>
    %dma_start3A_194 = arith.constant 0 : i32
    %dma_start3A_195 = tpu.memref_slice %arg6[%add3A_188, %dma_start3A_189, %dma_start3A_194] : memref<1025x1x1280xf32, #tpu.memory_space<hbm>> -> memref<8x1x1280xf32, #tpu.memory_space<hbm>>
    %dma_start3A_196 = tpu.memref_squeeze %dma_start3A_195 : memref<8x1x1280xf32, #tpu.memory_space<hbm>> -> memref<8x1280xf32, #tpu.memory_space<hbm>>
    %dma_start3A_197 = arith.constant 0 : i32
    %dma_start3A_198 = tpu.memref_slice %arg6[%add3A_188, %dma_start3A_189, %dma_start3A_197] : memref<1025x1x1280xf32, #tpu.memory_space<hbm>> -> memref<8x1x1280xf32, #tpu.memory_space<hbm>>
    %dma_start3A_199 = tpu.memref_squeeze %dma_start3A_198 : memref<8x1x1280xf32, #tpu.memory_space<hbm>> -> memref<8x1280xf32, #tpu.memory_space<hbm>>
    %dma_start3A_200 = arith.constant 0 : i32
    %dma_start3A_201 = arith.constant 0 : i32
    %dma_start3A_202 = tpu.memref_slice %arg12[%dma_start3A_200, %min3A, %dma_start3A_201] : memref<8x4x1280xf32, #tpu.memory_space<vmem>> -> memref<8x1x1280xf32, #tpu.memory_space<vmem>>
    %dma_start3A_203 = tpu.memref_squeeze %dma_start3A_202 : memref<8x1x1280xf32, #tpu.memory_space<vmem>> -> memref<8x1280xf32, #tpu.memory_space<vmem>>
    tpu.enqueue_dma source(%dma_start3A_203 : memref<8x1280xf32, #tpu.memory_space<vmem>>) target(%dma_start3A_199 : memref<8x1280xf32, #tpu.memory_space<hbm>>) target_semaphore(%arg15 : memref<!tpu.dma_semaphore, #tpu.memory_space<semaphore_mem>>)
    %dma_wait3A_204 = arith.constant 0 : i32
    %dma_wait3A_205 = arith.constant 0 : i32
    %dma_wait3A_206 = arith.constant 0 : i32
    %dma_wait3A_207 = tpu.memref_slice %arg2[%dma_wait3A_204, %add3A_130, %dma_wait3A_205, %dma_wait3A_206] : memref<1x1025x4x1280xf32, #tpu.memory_space<hbm>> -> memref<1x8x4x1280xf32, #tpu.memory_space<hbm>>
    %dma_wait3A_208 = tpu.memref_squeeze %dma_wait3A_207 : memref<1x8x4x1280xf32, #tpu.memory_space<hbm>> -> memref<8x4x1280xf32, #tpu.memory_space<hbm>>
    %dma_wait3A_209 = arith.constant 0 : i32
    %dma_wait3A_210 = arith.constant 0 : i32
    %dma_wait3A_211 = tpu.memref_slice %arg2[%dma_wait3A_204, %add3A_130, %dma_wait3A_209, %dma_wait3A_210] : memref<1x1025x4x1280xf32, #tpu.memory_space<hbm>> -> memref<1x8x4x1280xf32, #tpu.memory_space<hbm>>
    %dma_wait3A_212 = tpu.memref_squeeze %dma_wait3A_211 : memref<1x8x4x1280xf32, #tpu.memory_space<hbm>> -> memref<8x4x1280xf32, #tpu.memory_space<hbm>>
    tpu.wait_dma2 semaphore(%arg13 : memref<!tpu.dma_semaphore, #tpu.memory_space<semaphore_mem>>) src(%dma_wait3A_212 : memref<8x4x1280xf32, #tpu.memory_space<hbm>>) dst(%arg10 : memref<8x4x1280xf32, #tpu.memory_space<vmem>>)
    %scan3A_213 = arith.constant 0 : i32
    %scan3A_214 = arith.constant 0 : i32
    %scan3A_215 = arith.constant 80 : i32
    %scan3A_216 = arith.addi %scan3A_214, %scan3A_215 : i32
    %scan3A_217 = arith.constant 1 : i32
    scf.for %scan3A_283 = %scan3A_214 to %scan3A_216 step %scan3A_217  : i32 {
      %mul3A_284 = arith.constant 16 : i32
      %mul3A_285 = arith.muli %scan3A_283, %mul3A_284 : i32
      %get3A_286 = arith.constant 0 : i32
      %get3A_287 = arith.constant 0 : i32
      %get3A_288 = arith.index_cast %get3A_286 : i32 to index
      %get3A_289 = arith.index_cast %get3A_287 : i32 to index
      %get3A_290 = arith.index_cast %mul3A_285 : i32 to index
      %get3A_291 = tpu.vector_load %arg9[%get3A_288, %get3A_289, %get3A_290] {strides = array<i32>} : memref<1x1x1280xf32, #tpu.memory_space<vmem>>, vector<1x1x16xf32>,
      %get3A_292 = vector.shape_cast %get3A_291 : vector<1x1x16xf32> to vector<16xf32>
      %get3A_293 = arith.constant 0 : i32
      %get3A_294 = arith.index_cast %get3A_293 : i32 to index
      %get3A_295 = arith.index_cast %min3A : i32 to index
      %get3A_296 = arith.index_cast %mul3A_285 : i32 to index
      %get3A_297 = tpu.vector_load %arg10[%get3A_294, %get3A_295, %get3A_296] {strides = array<i32>} : memref<8x4x1280xf32, #tpu.memory_space<vmem>>, vector<1x1x16xf32>,
      %get3A_298 = vector.shape_cast %get3A_297 : vector<1x1x16xf32> to vector<16xf32>
      %mul3A_299 = arith.mulf %get3A_298, %broadcast_in_dim3A : vector<16xf32>
      %add3A_300 = arith.addf %mul3A_299, %get3A_292 : vector<16xf32>
      %swap3A = arith.constant 0 : i32
      %swap3A_301 = arith.index_cast %swap3A : i32 to index
      %swap3A_302 = arith.index_cast %min3A : i32 to index
      %swap3A_303 = arith.index_cast %mul3A_285 : i32 to index
      %swap3A_304 = tpu.vector_load %arg10[%swap3A_301, %swap3A_302, %swap3A_303] {strides = array<i32>} : memref<8x4x1280xf32, #tpu.memory_space<vmem>>, vector<1x1x16xf32>,
      %swap3A_305 = vector.shape_cast %swap3A_304 : vector<1x1x16xf32> to vector<16xf32>
      %swap3A_306 = vector.shape_cast %add3A_300 : vector<16xf32> to vector<1x1x16xf32>
      tpu.vector_store %arg10[%swap3A_301, %swap3A_302, %swap3A_303], %swap3A_306 {strides = array<i32>} : memref<8x4x1280xf32, #tpu.memory_space<vmem>>, vector<1x1x16xf32>,
      %get3A_307 = arith.constant 1 : i32
      %get3A_308 = arith.index_cast %get3A_307 : i32 to index
      %get3A_309 = arith.index_cast %min3A : i32 to index
      %get3A_310 = arith.index_cast %mul3A_285 : i32 to index
      %get3A_311 = tpu.vector_load %arg10[%get3A_308, %get3A_309, %get3A_310] {strides = array<i32>} : memref<8x4x1280xf32, #tpu.memory_space<vmem>>, vector<1x1x16xf32>,
      %get3A_312 = vector.shape_cast %get3A_311 : vector<1x1x16xf32> to vector<16xf32>
      %mul3A_313 = arith.mulf %get3A_312, %broadcast_in_dim3A : vector<16xf32>
      %add3A_314 = arith.addf %mul3A_313, %get3A_292 : vector<16xf32>
      %swap3A_315 = arith.constant 1 : i32
      %swap3A_316 = arith.index_cast %swap3A_315 : i32 to index
      %swap3A_317 = arith.index_cast %min3A : i32 to index
      %swap3A_318 = arith.index_cast %mul3A_285 : i32 to index
      %swap3A_319 = tpu.vector_load %arg10[%swap3A_316, %swap3A_317, %swap3A_318] {strides = array<i32>} : memref<8x4x1280xf32, #tpu.memory_space<vmem>>, vector<1x1x16xf32>,
      %swap3A_320 = vector.shape_cast %swap3A_319 : vector<1x1x16xf32> to vector<16xf32>
      %swap3A_321 = vector.shape_cast %add3A_314 : vector<16xf32> to vector<1x1x16xf32>
      tpu.vector_store %arg10[%swap3A_316, %swap3A_317, %swap3A_318], %swap3A_321 {strides = array<i32>} : memref<8x4x1280xf32, #tpu.memory_space<vmem>>, vector<1x1x16xf32>,
      %get3A_322 = arith.constant 2 : i32
      %get3A_323 = arith.index_cast %get3A_322 : i32 to index
      %get3A_324 = arith.index_cast %min3A : i32 to index
      %get3A_325 = arith.index_cast %mul3A_285 : i32 to index
      %get3A_326 = tpu.vector_load %arg10[%get3A_323, %get3A_324, %get3A_325] {strides = array<i32>} : memref<8x4x1280xf32, #tpu.memory_space<vmem>>, vector<1x1x16xf32>,
      %get3A_327 = vector.shape_cast %get3A_326 : vector<1x1x16xf32> to vector<16xf32>
      %mul3A_328 = arith.mulf %get3A_327, %broadcast_in_dim3A : vector<16xf32>
      %add3A_329 = arith.addf %mul3A_328, %get3A_292 : vector<16xf32>
      %swap3A_330 = arith.constant 2 : i32
      %swap3A_331 = arith.index_cast %swap3A_330 : i32 to index
      %swap3A_332 = arith.index_cast %min3A : i32 to index
      %swap3A_333 = arith.index_cast %mul3A_285 : i32 to index
      %swap3A_334 = tpu.vector_load %arg10[%swap3A_331, %swap3A_332, %swap3A_333] {strides = array<i32>} : memref<8x4x1280xf32, #tpu.memory_space<vmem>>, vector<1x1x16xf32>,
      %swap3A_335 = vector.shape_cast %swap3A_334 : vector<1x1x16xf32> to vector<16xf32>
      %swap3A_336 = vector.shape_cast %add3A_329 : vector<16xf32> to vector<1x1x16xf32>
      tpu.vector_store %arg10[%swap3A_331, %swap3A_332, %swap3A_333], %swap3A_336 {strides = array<i32>} : memref<8x4x1280xf32, #tpu.memory_space<vmem>>, vector<1x1x16xf32>,
      %get3A_337 = arith.constant 3 : i32
      %get3A_338 = arith.index_cast %get3A_337 : i32 to index
      %get3A_339 = arith.index_cast %min3A : i32 to index
      %get3A_340 = arith.index_cast %mul3A_285 : i32 to index
      %get3A_341 = tpu.vector_load %arg10[%get3A_338, %get3A_339, %get3A_340] {strides = array<i32>} : memref<8x4x1280xf32, #tpu.memory_space<vmem>>, vector<1x1x16xf32>,
      %get3A_342 = vector.shape_cast %get3A_341 : vector<1x1x16xf32> to vector<16xf32>
      %mul3A_343 = arith.mulf %get3A_342, %broadcast_in_dim3A : vector<16xf32>
      %add3A_344 = arith.addf %mul3A_343, %get3A_292 : vector<16xf32>
      %swap3A_345 = arith.constant 3 : i32
      %swap3A_346 = arith.index_cast %swap3A_345 : i32 to index
      %swap3A_347 = arith.index_cast %min3A : i32 to index
      %swap3A_348 = arith.index_cast %mul3A_285 : i32 to index
      %swap3A_349 = tpu.vector_load %arg10[%swap3A_346, %swap3A_347, %swap3A_348] {strides = array<i32>} : memref<8x4x1280xf32, #tpu.memory_space<vmem>>, vector<1x1x16xf32>,
      %swap3A_350 = vector.shape_cast %swap3A_349 : vector<1x1x16xf32> to vector<16xf32>
      %swap3A_351 = vector.shape_cast %add3A_344 : vector<16xf32> to vector<1x1x16xf32>
      tpu.vector_store %arg10[%swap3A_346, %swap3A_347, %swap3A_348], %swap3A_351 {strides = array<i32>} : memref<8x4x1280xf32, #tpu.memory_space<vmem>>, vector<1x1x16xf32>,
      %get3A_352 = arith.constant 4 : i32
      %get3A_353 = arith.index_cast %get3A_352 : i32 to index
      %get3A_354 = arith.index_cast %min3A : i32 to index
      %get3A_355 = arith.index_cast %mul3A_285 : i32 to index
      %get3A_356 = tpu.vector_load %arg10[%get3A_353, %get3A_354, %get3A_355] {strides = array<i32>} : memref<8x4x1280xf32, #tpu.memory_space<vmem>>, vector<1x1x16xf32>,
      %get3A_357 = vector.shape_cast %get3A_356 : vector<1x1x16xf32> to vector<16xf32>
      %mul3A_358 = arith.mulf %get3A_357, %broadcast_in_dim3A : vector<16xf32>
      %add3A_359 = arith.addf %mul3A_358, %get3A_292 : vector<16xf32>
      %swap3A_360 = arith.constant 4 : i32
      %swap3A_361 = arith.index_cast %swap3A_360 : i32 to index
      %swap3A_362 = arith.index_cast %min3A : i32 to index
      %swap3A_363 = arith.index_cast %mul3A_285 : i32 to index
      %swap3A_364 = tpu.vector_load %arg10[%swap3A_361, %swap3A_362, %swap3A_363] {strides = array<i32>} : memref<8x4x1280xf32, #tpu.memory_space<vmem>>, vector<1x1x16xf32>,
      %swap3A_365 = vector.shape_cast %swap3A_364 : vector<1x1x16xf32> to vector<16xf32>
      %swap3A_366 = vector.shape_cast %add3A_359 : vector<16xf32> to vector<1x1x16xf32>
      tpu.vector_store %arg10[%swap3A_361, %swap3A_362, %swap3A_363], %swap3A_366 {strides = array<i32>} : memref<8x4x1280xf32, #tpu.memory_space<vmem>>, vector<1x1x16xf32>,
      %get3A_367 = arith.constant 5 : i32
      %get3A_368 = arith.index_cast %get3A_367 : i32 to index
      %get3A_369 = arith.index_cast %min3A : i32 to index
      %get3A_370 = arith.index_cast %mul3A_285 : i32 to index
      %get3A_371 = tpu.vector_load %arg10[%get3A_368, %get3A_369, %get3A_370] {strides = array<i32>} : memref<8x4x1280xf32, #tpu.memory_space<vmem>>, vector<1x1x16xf32>,
      %get3A_372 = vector.shape_cast %get3A_371 : vector<1x1x16xf32> to vector<16xf32>
      %mul3A_373 = arith.mulf %get3A_372, %broadcast_in_dim3A : vector<16xf32>
      %add3A_374 = arith.addf %mul3A_373, %get3A_292 : vector<16xf32>
      %swap3A_375 = arith.constant 5 : i32
      %swap3A_376 = arith.index_cast %swap3A_375 : i32 to index
      %swap3A_377 = arith.index_cast %min3A : i32 to index
      %swap3A_378 = arith.index_cast %mul3A_285 : i32 to index
      %swap3A_379 = tpu.vector_load %arg10[%swap3A_376, %swap3A_377, %swap3A_378] {strides = array<i32>} : memref<8x4x1280xf32, #tpu.memory_space<vmem>>, vector<1x1x16xf32>,
      %swap3A_380 = vector.shape_cast %swap3A_379 : vector<1x1x16xf32> to vector<16xf32>
      %swap3A_381 = vector.shape_cast %add3A_374 : vector<16xf32> to vector<1x1x16xf32>
      tpu.vector_store %arg10[%swap3A_376, %swap3A_377, %swap3A_378], %swap3A_381 {strides = array<i32>} : memref<8x4x1280xf32, #tpu.memory_space<vmem>>, vector<1x1x16xf32>,
      %get3A_382 = arith.constant 6 : i32
      %get3A_383 = arith.index_cast %get3A_382 : i32 to index
      %get3A_384 = arith.index_cast %min3A : i32 to index
      %get3A_385 = arith.index_cast %mul3A_285 : i32 to index
      %get3A_386 = tpu.vector_load %arg10[%get3A_383, %get3A_384, %get3A_385] {strides = array<i32>} : memref<8x4x1280xf32, #tpu.memory_space<vmem>>, vector<1x1x16xf32>,
      %get3A_387 = vector.shape_cast %get3A_386 : vector<1x1x16xf32> to vector<16xf32>
      %mul3A_388 = arith.mulf %get3A_387, %broadcast_in_dim3A : vector<16xf32>
      %add3A_389 = arith.addf %mul3A_388, %get3A_292 : vector<16xf32>
      %swap3A_390 = arith.constant 6 : i32
      %swap3A_391 = arith.index_cast %swap3A_390 : i32 to index
      %swap3A_392 = arith.index_cast %min3A : i32 to index
      %swap3A_393 = arith.index_cast %mul3A_285 : i32 to index
      %swap3A_394 = tpu.vector_load %arg10[%swap3A_391, %swap3A_392, %swap3A_393] {strides = array<i32>} : memref<8x4x1280xf32, #tpu.memory_space<vmem>>, vector<1x1x16xf32>,
      %swap3A_395 = vector.shape_cast %swap3A_394 : vector<1x1x16xf32> to vector<16xf32>
      %swap3A_396 = vector.shape_cast %add3A_389 : vector<16xf32> to vector<1x1x16xf32>
      tpu.vector_store %arg10[%swap3A_391, %swap3A_392, %swap3A_393], %swap3A_396 {strides = array<i32>} : memref<8x4x1280xf32, #tpu.memory_space<vmem>>, vector<1x1x16xf32>,
      %get3A_397 = arith.constant 7 : i32
      %get3A_398 = arith.index_cast %get3A_397 : i32 to index
      %get3A_399 = arith.index_cast %min3A : i32 to index
      %get3A_400 = arith.index_cast %mul3A_285 : i32 to index
      %get3A_401 = tpu.vector_load %arg10[%get3A_398, %get3A_399, %get3A_400] {strides = array<i32>} : memref<8x4x1280xf32, #tpu.memory_space<vmem>>, vector<1x1x16xf32>,
      %get3A_402 = vector.shape_cast %get3A_401 : vector<1x1x16xf32> to vector<16xf32>
      %mul3A_403 = arith.mulf %get3A_402, %broadcast_in_dim3A : vector<16xf32>
      %add3A_404 = arith.addf %mul3A_403, %get3A_292 : vector<16xf32>
      %swap3A_405 = arith.constant 7 : i32
      %swap3A_406 = arith.index_cast %swap3A_405 : i32 to index
      %swap3A_407 = arith.index_cast %min3A : i32 to index
      %swap3A_408 = arith.index_cast %mul3A_285 : i32 to index
      %swap3A_409 = tpu.vector_load %arg10[%swap3A_406, %swap3A_407, %swap3A_408] {strides = array<i32>} : memref<8x4x1280xf32, #tpu.memory_space<vmem>>, vector<1x1x16xf32>,
      %swap3A_410 = vector.shape_cast %swap3A_409 : vector<1x1x16xf32> to vector<16xf32>
      %swap3A_411 = vector.shape_cast %add3A_404 : vector<16xf32> to vector<1x1x16xf32>
      tpu.vector_store %arg10[%swap3A_406, %swap3A_407, %swap3A_408], %swap3A_411 {strides = array<i32>} : memref<8x4x1280xf32, #tpu.memory_space<vmem>>, vector<1x1x16xf32>,
    }
    %scan3A_218 = arith.constant 80 : i32
    %add3A_219 = arith.constant 24 : i32
    %add3A_220 = arith.addi %mul3A_2, %add3A_219 : i32
    %dma_start3A_221 = arith.constant 0 : i32
    %dma_start3A_222 = arith.constant 0 : i32
    %dma_start3A_223 = arith.constant 0 : i32
    %dma_start3A_224 = tpu.memref_slice %arg10[%dma_start3A_222, %min3A, %dma_start3A_223] : memref<8x4x1280xf32, #tpu.memory_space<vmem>> -> memref<8x1x1280xf32, #tpu.memory_space<vmem>>
    %dma_start3A_225 = tpu.memref_squeeze %dma_start3A_224 : memref<8x1x1280xf32, #tpu.memory_space<vmem>> -> memref<8x1280xf32, #tpu.memory_space<vmem>>
    %dma_start3A_226 = arith.constant 0 : i32
    %dma_start3A_227 = tpu.memref_slice %arg6[%add3A_220, %dma_start3A_221, %dma_start3A_226] : memref<1025x1x1280xf32, #tpu.memory_space<hbm>> -> memref<8x1x1280xf32, #tpu.memory_space<hbm>>
    %dma_start3A_228 = tpu.memref_squeeze %dma_start3A_227 : memref<8x1x1280xf32, #tpu.memory_space<hbm>> -> memref<8x1280xf32, #tpu.memory_space<hbm>>
    %dma_start3A_229 = arith.constant 0 : i32
    %dma_start3A_230 = tpu.memref_slice %arg6[%add3A_220, %dma_start3A_221, %dma_start3A_229] : memref<1025x1x1280xf32, #tpu.memory_space<hbm>> -> memref<8x1x1280xf32, #tpu.memory_space<hbm>>
    %dma_start3A_231 = tpu.memref_squeeze %dma_start3A_230 : memref<8x1x1280xf32, #tpu.memory_space<hbm>> -> memref<8x1280xf32, #tpu.memory_space<hbm>>
    %dma_start3A_232 = arith.constant 0 : i32
    %dma_start3A_233 = arith.constant 0 : i32
    %dma_start3A_234 = tpu.memref_slice %arg10[%dma_start3A_232, %min3A, %dma_start3A_233] : memref<8x4x1280xf32, #tpu.memory_space<vmem>> -> memref<8x1x1280xf32, #tpu.memory_space<vmem>>
    %dma_start3A_235 = tpu.memref_squeeze %dma_start3A_234 : memref<8x1x1280xf32, #tpu.memory_space<vmem>> -> memref<8x1280xf32, #tpu.memory_space<vmem>>
    tpu.enqueue_dma source(%dma_start3A_235 : memref<8x1280xf32, #tpu.memory_space<vmem>>) target(%dma_start3A_231 : memref<8x1280xf32, #tpu.memory_space<hbm>>) target_semaphore(%arg15 : memref<!tpu.dma_semaphore, #tpu.memory_space<semaphore_mem>>)
    %eq3A = arith.constant 0 : i32
    %eq3A_236 = arith.cmpi eq, %add3A, %eq3A : i32
    %convert_element_type3A = arith.extui %eq3A_236 : i1 to i32
    %cond3A = arith.constant 0 : i32
    %cond3A_237 = arith.cmpi ne, %convert_element_type3A, %cond3A : i32
    scf.if %cond3A_237 {
      %dma_start3A_283 = arith.constant 0 : i32
      %dma_start3A_284 = arith.constant 0 : i32
      %dma_start3A_285 = arith.constant 0 : i32
      %dma_start3A_286 = arith.constant 0 : i32
      %dma_start3A_287 = tpu.memref_slice %arg10[%dma_start3A_284, %dma_start3A_285, %dma_start3A_286] : memref<8x4x1280xf32, #tpu.memory_space<vmem>> -> memref<1x4x1280xf32, #tpu.memory_space<vmem>>
      %dma_start3A_288 = arith.constant 1024 : i32
      %dma_start3A_289 = arith.constant 0 : i32
      %dma_start3A_290 = arith.constant 0 : i32
      %dma_start3A_291 = tpu.memref_slice %arg2[%dma_start3A_283, %dma_start3A_288, %dma_start3A_289, %dma_start3A_290] : memref<1x1025x4x1280xf32, #tpu.memory_space<hbm>> -> memref<1x1x4x1280xf32, #tpu.memory_space<hbm>>
      %dma_start3A_292 = tpu.memref_squeeze %dma_start3A_291 : memref<1x1x4x1280xf32, #tpu.memory_space<hbm>> -> memref<1x4x1280xf32, #tpu.memory_space<hbm>>
      %dma_start3A_293 = arith.constant 0 : i32
      %dma_start3A_294 = arith.constant 0 : i32
      %dma_start3A_295 = arith.constant 0 : i32
      %dma_start3A_296 = tpu.memref_slice %arg10[%dma_start3A_293, %dma_start3A_294, %dma_start3A_295] : memref<8x4x1280xf32, #tpu.memory_space<vmem>> -> memref<1x4x1280xf32, #tpu.memory_space<vmem>>
      %dma_start3A_297 = arith.constant 1024 : i32
      %dma_start3A_298 = arith.constant 0 : i32
      %dma_start3A_299 = arith.constant 0 : i32
      %dma_start3A_300 = tpu.memref_slice %arg2[%dma_start3A_283, %dma_start3A_297, %dma_start3A_298, %dma_start3A_299] : memref<1x1025x4x1280xf32, #tpu.memory_space<hbm>> -> memref<1x1x4x1280xf32, #tpu.memory_space<hbm>>
      %dma_start3A_301 = tpu.memref_squeeze %dma_start3A_300 : memref<1x1x4x1280xf32, #tpu.memory_space<hbm>> -> memref<1x4x1280xf32, #tpu.memory_space<hbm>>
      tpu.enqueue_dma source(%dma_start3A_301 : memref<1x4x1280xf32, #tpu.memory_space<hbm>>) target(%dma_start3A_296 : memref<1x4x1280xf32, #tpu.memory_space<vmem>>) target_semaphore(%arg13 : memref<!tpu.dma_semaphore, #tpu.memory_space<semaphore_mem>>)
      %dma_wait3A_302 = arith.constant 0 : i32
      %dma_wait3A_303 = arith.constant 0 : i32
      %dma_wait3A_304 = arith.constant 0 : i32
      %dma_wait3A_305 = arith.constant 0 : i32
      %dma_wait3A_306 = tpu.memref_slice %arg10[%dma_wait3A_303, %dma_wait3A_304, %dma_wait3A_305] : memref<8x4x1280xf32, #tpu.memory_space<vmem>> -> memref<1x4x1280xf32, #tpu.memory_space<vmem>>
      %dma_wait3A_307 = arith.constant 1024 : i32
      %dma_wait3A_308 = arith.constant 0 : i32
      %dma_wait3A_309 = arith.constant 0 : i32
      %dma_wait3A_310 = tpu.memref_slice %arg2[%dma_wait3A_302, %dma_wait3A_307, %dma_wait3A_308, %dma_wait3A_309] : memref<1x1025x4x1280xf32, #tpu.memory_space<hbm>> -> memref<1x1x4x1280xf32, #tpu.memory_space<hbm>>
      %dma_wait3A_311 = tpu.memref_squeeze %dma_wait3A_310 : memref<1x1x4x1280xf32, #tpu.memory_space<hbm>> -> memref<1x4x1280xf32, #tpu.memory_space<hbm>>
      %dma_wait3A_312 = arith.constant 0 : i32
      %dma_wait3A_313 = arith.constant 0 : i32
      %dma_wait3A_314 = arith.constant 0 : i32
      %dma_wait3A_315 = tpu.memref_slice %arg10[%dma_wait3A_312, %dma_wait3A_313, %dma_wait3A_314] : memref<8x4x1280xf32, #tpu.memory_space<vmem>> -> memref<1x4x1280xf32, #tpu.memory_space<vmem>>
      %dma_wait3A_316 = arith.constant 1024 : i32
      %dma_wait3A_317 = arith.constant 0 : i32
      %dma_wait3A_318 = arith.constant 0 : i32
      %dma_wait3A_319 = tpu.memref_slice %arg2[%dma_wait3A_302, %dma_wait3A_316, %dma_wait3A_317, %dma_wait3A_318] : memref<1x1025x4x1280xf32, #tpu.memory_space<hbm>> -> memref<1x1x4x1280xf32, #tpu.memory_space<hbm>>
      %dma_wait3A_320 = tpu.memref_squeeze %dma_wait3A_319 : memref<1x1x4x1280xf32, #tpu.memory_space<hbm>> -> memref<1x4x1280xf32, #tpu.memory_space<hbm>>
      tpu.wait_dma2 semaphore(%arg13 : memref<!tpu.dma_semaphore, #tpu.memory_space<semaphore_mem>>) src(%dma_wait3A_320 : memref<1x4x1280xf32, #tpu.memory_space<hbm>>) dst(%dma_wait3A_315 : memref<1x4x1280xf32, #tpu.memory_space<vmem>>)
      %scan3A_321 = arith.constant 0 : i32
      %scan3A_322 = arith.constant 0 : i32
      %scan3A_323 = arith.constant 80 : i32
      %scan3A_324 = arith.addi %scan3A_322, %scan3A_323 : i32
      %scan3A_325 = arith.constant 1 : i32
      scf.for %scan3A_327 = %scan3A_322 to %scan3A_324 step %scan3A_325  : i32 {
        %mul3A_328 = arith.constant 16 : i32
        %mul3A_329 = arith.muli %scan3A_327, %mul3A_328 : i32
        %get3A_330 = arith.constant 0 : i32
        %get3A_331 = arith.constant 0 : i32
        %get3A_332 = arith.index_cast %get3A_330 : i32 to index
        %get3A_333 = arith.index_cast %get3A_331 : i32 to index
        %get3A_334 = arith.index_cast %mul3A_329 : i32 to index
        %get3A_335 = tpu.vector_load %arg9[%get3A_332, %get3A_333, %get3A_334] {strides = array<i32>} : memref<1x1x1280xf32, #tpu.memory_space<vmem>>, vector<1x1x16xf32>,
        %get3A_336 = vector.shape_cast %get3A_335 : vector<1x1x16xf32> to vector<16xf32>
        %get3A_337 = arith.constant 0 : i32
        %get3A_338 = arith.index_cast %get3A_337 : i32 to index
        %get3A_339 = arith.index_cast %min3A : i32 to index
        %get3A_340 = arith.index_cast %mul3A_329 : i32 to index
        %get3A_341 = tpu.vector_load %arg10[%get3A_338, %get3A_339, %get3A_340] {strides = array<i32>} : memref<8x4x1280xf32, #tpu.memory_space<vmem>>, vector<1x1x16xf32>,
        %get3A_342 = vector.shape_cast %get3A_341 : vector<1x1x16xf32> to vector<16xf32>
        %mul3A_343 = arith.mulf %get3A_342, %broadcast_in_dim3A : vector<16xf32>
        %add3A_344 = arith.addf %mul3A_343, %get3A_336 : vector<16xf32>
        %swap3A = arith.constant 0 : i32
        %swap3A_345 = arith.index_cast %swap3A : i32 to index
        %swap3A_346 = arith.index_cast %min3A : i32 to index
        %swap3A_347 = arith.index_cast %mul3A_329 : i32 to index
        %swap3A_348 = tpu.vector_load %arg10[%swap3A_345, %swap3A_346, %swap3A_347] {strides = array<i32>} : memref<8x4x1280xf32, #tpu.memory_space<vmem>>, vector<1x1x16xf32>,
        %swap3A_349 = vector.shape_cast %swap3A_348 : vector<1x1x16xf32> to vector<16xf32>
        %swap3A_350 = vector.shape_cast %add3A_344 : vector<16xf32> to vector<1x1x16xf32>
        tpu.vector_store %arg10[%swap3A_345, %swap3A_346, %swap3A_347], %swap3A_350 {strides = array<i32>} : memref<8x4x1280xf32, #tpu.memory_space<vmem>>, vector<1x1x16xf32>,
      }
      %scan3A_326 = arith.constant 80 : i32
      %run_scoped3A = arith.constant 0 : i32
      "tpu.region"() ({
        %run_scoped3A_327 = tpu.sem_alloc : memref<!tpu.dma_semaphore, #tpu.memory_space<semaphore_mem>>
        %dma_start3A_328 = arith.constant 0 : i32
        %dma_start3A_329 = arith.constant 0 : i32
        %dma_start3A_330 = tpu.memref_slice %arg10[%dma_start3A_328, %min3A, %dma_start3A_329] : memref<8x4x1280xf32, #tpu.memory_space<vmem>> -> memref<1x1x1280xf32, #tpu.memory_space<vmem>>
        %dma_start3A_331 = tpu.memref_squeeze %dma_start3A_330 : memref<1x1x1280xf32, #tpu.memory_space<vmem>> -> memref<1x1280xf32, #tpu.memory_space<vmem>>
        %dma_start3A_332 = arith.constant 1024 : i32
        %dma_start3A_333 = arith.constant 0 : i32
        %dma_start3A_334 = tpu.memref_slice %arg6[%dma_start3A_332, %run_scoped3A, %dma_start3A_333] : memref<1025x1x1280xf32, #tpu.memory_space<hbm>> -> memref<1x1x1280xf32, #tpu.memory_space<hbm>>
        %dma_start3A_335 = tpu.memref_squeeze %dma_start3A_334 : memref<1x1x1280xf32, #tpu.memory_space<hbm>> -> memref<1x1280xf32, #tpu.memory_space<hbm>>
        %dma_start3A_336 = arith.constant 1024 : i32
        %dma_start3A_337 = arith.constant 0 : i32
        %dma_start3A_338 = tpu.memref_slice %arg6[%dma_start3A_336, %run_scoped3A, %dma_start3A_337] : memref<1025x1x1280xf32, #tpu.memory_space<hbm>> -> memref<1x1x1280xf32, #tpu.memory_space<hbm>>
        %dma_start3A_339 = tpu.memref_squeeze %dma_start3A_338 : memref<1x1x1280xf32, #tpu.memory_space<hbm>> -> memref<1x1280xf32, #tpu.memory_space<hbm>>
        %dma_start3A_340 = arith.constant 0 : i32
        %dma_start3A_341 = arith.constant 0 : i32
        %dma_start3A_342 = tpu.memref_slice %arg10[%dma_start3A_340, %min3A, %dma_start3A_341] : memref<8x4x1280xf32, #tpu.memory_space<vmem>> -> memref<1x1x1280xf32, #tpu.memory_space<vmem>>
        %dma_start3A_343 = tpu.memref_squeeze %dma_start3A_342 : memref<1x1x1280xf32, #tpu.memory_space<vmem>> -> memref<1x1280xf32, #tpu.memory_space<vmem>>
        tpu.enqueue_dma source(%dma_start3A_343 : memref<1x1280xf32, #tpu.memory_space<vmem>>) target(%dma_start3A_339 : memref<1x1280xf32, #tpu.memory_space<hbm>>) target_semaphore(%run_scoped3A_327 : memref<!tpu.dma_semaphore, #tpu.memory_space<semaphore_mem>>)
        %dma_wait3A_344 = arith.constant 0 : i32
        %dma_wait3A_345 = arith.constant 0 : i32
        %dma_wait3A_346 = tpu.memref_slice %arg10[%dma_wait3A_344, %min3A, %dma_wait3A_345] : memref<8x4x1280xf32, #tpu.memory_space<vmem>> -> memref<1x1x1280xf32, #tpu.memory_space<vmem>>
        %dma_wait3A_347 = tpu.memref_squeeze %dma_wait3A_346 : memref<1x1x1280xf32, #tpu.memory_space<vmem>> -> memref<1x1280xf32, #tpu.memory_space<vmem>>
        %dma_wait3A_348 = arith.constant 1024 : i32
        %dma_wait3A_349 = arith.constant 0 : i32
        %dma_wait3A_350 = tpu.memref_slice %arg6[%dma_wait3A_348, %run_scoped3A, %dma_wait3A_349] : memref<1025x1x1280xf32, #tpu.memory_space<hbm>> -> memref<1x1x1280xf32, #tpu.memory_space<hbm>>
        %dma_wait3A_351 = tpu.memref_squeeze %dma_wait3A_350 : memref<1x1x1280xf32, #tpu.memory_space<hbm>> -> memref<1x1280xf32, #tpu.memory_space<hbm>>
        %dma_wait3A_352 = arith.constant 1024 : i32
        %dma_wait3A_353 = arith.constant 0 : i32
        %dma_wait3A_354 = tpu.memref_slice %arg6[%dma_wait3A_352, %run_scoped3A, %dma_wait3A_353] : memref<1025x1x1280xf32, #tpu.memory_space<hbm>> -> memref<1x1x1280xf32, #tpu.memory_space<hbm>>
        %dma_wait3A_355 = tpu.memref_squeeze %dma_wait3A_354 : memref<1x1x1280xf32, #tpu.memory_space<hbm>> -> memref<1x1280xf32, #tpu.memory_space<hbm>>
        %dma_wait3A_356 = arith.constant 0 : i32
        %dma_wait3A_357 = arith.constant 0 : i32
        %dma_wait3A_358 = tpu.memref_slice %arg10[%dma_wait3A_356, %min3A, %dma_wait3A_357] : memref<8x4x1280xf32, #tpu.memory_space<vmem>> -> memref<1x1x1280xf32, #tpu.memory_space<vmem>>
        %dma_wait3A_359 = tpu.memref_squeeze %dma_wait3A_358 : memref<1x1x1280xf32, #tpu.memory_space<vmem>> -> memref<1x1280xf32, #tpu.memory_space<vmem>>
        tpu.wait_dma2 semaphore(%run_scoped3A_327 : memref<!tpu.dma_semaphore, #tpu.memory_space<semaphore_mem>>) src(%dma_wait3A_359 : memref<1x1280xf32, #tpu.memory_space<vmem>>) dst(%dma_wait3A_355 : memref<1x1280xf32, #tpu.memory_space<hbm>>)
        tpu.yield
      }) : () -> ()
    } else {
    }
    %dma_wait3A_238 = arith.constant 0 : i32
    %dma_wait3A_239 = arith.constant 0 : i32
    %dma_wait3A_240 = arith.constant 0 : i32
    %dma_wait3A_241 = tpu.memref_slice %arg11[%dma_wait3A_239, %min3A, %dma_wait3A_240] : memref<8x4x1280xf32, #tpu.memory_space<vmem>> -> memref<8x1x1280xf32, #tpu.memory_space<vmem>>
    %dma_wait3A_242 = tpu.memref_squeeze %dma_wait3A_241 : memref<8x1x1280xf32, #tpu.memory_space<vmem>> -> memref<8x1280xf32, #tpu.memory_space<vmem>>
    %dma_wait3A_243 = arith.constant 0 : i32
    %dma_wait3A_244 = tpu.memref_slice %arg6[%add3A_156, %dma_wait3A_238, %dma_wait3A_243] : memref<1025x1x1280xf32, #tpu.memory_space<hbm>> -> memref<8x1x1280xf32, #tpu.memory_space<hbm>>
    %dma_wait3A_245 = tpu.memref_squeeze %dma_wait3A_244 : memref<8x1x1280xf32, #tpu.memory_space<hbm>> -> memref<8x1280xf32, #tpu.memory_space<hbm>>
    %dma_wait3A_246 = arith.constant 0 : i32
    %dma_wait3A_247 = tpu.memref_slice %arg6[%add3A_156, %dma_wait3A_238, %dma_wait3A_246] : memref<1025x1x1280xf32, #tpu.memory_space<hbm>> -> memref<8x1x1280xf32, #tpu.memory_space<hbm>>
    %dma_wait3A_248 = tpu.memref_squeeze %dma_wait3A_247 : memref<8x1x1280xf32, #tpu.memory_space<hbm>> -> memref<8x1280xf32, #tpu.memory_space<hbm>>
    %dma_wait3A_249 = arith.constant 0 : i32
    %dma_wait3A_250 = arith.constant 0 : i32
    %dma_wait3A_251 = tpu.memref_slice %arg11[%dma_wait3A_249, %min3A, %dma_wait3A_250] : memref<8x4x1280xf32, #tpu.memory_space<vmem>> -> memref<8x1x1280xf32, #tpu.memory_space<vmem>>
    %dma_wait3A_252 = tpu.memref_squeeze %dma_wait3A_251 : memref<8x1x1280xf32, #tpu.memory_space<vmem>> -> memref<8x1280xf32, #tpu.memory_space<vmem>>
    tpu.wait_dma2 semaphore(%arg15 : memref<!tpu.dma_semaphore, #tpu.memory_space<semaphore_mem>>) src(%dma_wait3A_252 : memref<8x1280xf32, #tpu.memory_space<vmem>>) dst(%dma_wait3A_248 : memref<8x1280xf32, #tpu.memory_space<hbm>>)
    %dma_wait3A_253 = arith.constant 0 : i32
    %dma_wait3A_254 = arith.constant 0 : i32
    %dma_wait3A_255 = arith.constant 0 : i32
    %dma_wait3A_256 = tpu.memref_slice %arg12[%dma_wait3A_254, %min3A, %dma_wait3A_255] : memref<8x4x1280xf32, #tpu.memory_space<vmem>> -> memref<8x1x1280xf32, #tpu.memory_space<vmem>>
    %dma_wait3A_257 = tpu.memref_squeeze %dma_wait3A_256 : memref<8x1x1280xf32, #tpu.memory_space<vmem>> -> memref<8x1280xf32, #tpu.memory_space<vmem>>
    %dma_wait3A_258 = arith.constant 0 : i32
    %dma_wait3A_259 = tpu.memref_slice %arg6[%add3A_188, %dma_wait3A_253, %dma_wait3A_258] : memref<1025x1x1280xf32, #tpu.memory_space<hbm>> -> memref<8x1x1280xf32, #tpu.memory_space<hbm>>
    %dma_wait3A_260 = tpu.memref_squeeze %dma_wait3A_259 : memref<8x1x1280xf32, #tpu.memory_space<hbm>> -> memref<8x1280xf32, #tpu.memory_space<hbm>>
    %dma_wait3A_261 = arith.constant 0 : i32
    %dma_wait3A_262 = tpu.memref_slice %arg6[%add3A_188, %dma_wait3A_253, %dma_wait3A_261] : memref<1025x1x1280xf32, #tpu.memory_space<hbm>> -> memref<8x1x1280xf32, #tpu.memory_space<hbm>>
    %dma_wait3A_263 = tpu.memref_squeeze %dma_wait3A_262 : memref<8x1x1280xf32, #tpu.memory_space<hbm>> -> memref<8x1280xf32, #tpu.memory_space<hbm>>
    %dma_wait3A_264 = arith.constant 0 : i32
    %dma_wait3A_265 = arith.constant 0 : i32
    %dma_wait3A_266 = tpu.memref_slice %arg12[%dma_wait3A_264, %min3A, %dma_wait3A_265] : memref<8x4x1280xf32, #tpu.memory_space<vmem>> -> memref<8x1x1280xf32, #tpu.memory_space<vmem>>
    %dma_wait3A_267 = tpu.memref_squeeze %dma_wait3A_266 : memref<8x1x1280xf32, #tpu.memory_space<vmem>> -> memref<8x1280xf32, #tpu.memory_space<vmem>>
    tpu.wait_dma2 semaphore(%arg15 : memref<!tpu.dma_semaphore, #tpu.memory_space<semaphore_mem>>) src(%dma_wait3A_267 : memref<8x1280xf32, #tpu.memory_space<vmem>>) dst(%dma_wait3A_263 : memref<8x1280xf32, #tpu.memory_space<hbm>>)
    %dma_wait3A_268 = arith.constant 0 : i32
    %dma_wait3A_269 = arith.constant 0 : i32
    %dma_wait3A_270 = arith.constant 0 : i32
    %dma_wait3A_271 = tpu.memref_slice %arg10[%dma_wait3A_269, %min3A, %dma_wait3A_270] : memref<8x4x1280xf32, #tpu.memory_space<vmem>> -> memref<8x1x1280xf32, #tpu.memory_space<vmem>>
    %dma_wait3A_272 = tpu.memref_squeeze %dma_wait3A_271 : memref<8x1x1280xf32, #tpu.memory_space<vmem>> -> memref<8x1280xf32, #tpu.memory_space<vmem>>
    %dma_wait3A_273 = arith.constant 0 : i32
    %dma_wait3A_274 = tpu.memref_slice %arg6[%add3A_220, %dma_wait3A_268, %dma_wait3A_273] : memref<1025x1x1280xf32, #tpu.memory_space<hbm>> -> memref<8x1x1280xf32, #tpu.memory_space<hbm>>
    %dma_wait3A_275 = tpu.memref_squeeze %dma_wait3A_274 : memref<8x1x1280xf32, #tpu.memory_space<hbm>> -> memref<8x1280xf32, #tpu.memory_space<hbm>>
    %dma_wait3A_276 = arith.constant 0 : i32
    %dma_wait3A_277 = tpu.memref_slice %arg6[%add3A_220, %dma_wait3A_268, %dma_wait3A_276] : memref<1025x1x1280xf32, #tpu.memory_space<hbm>> -> memref<8x1x1280xf32, #tpu.memory_space<hbm>>
    %dma_wait3A_278 = tpu.memref_squeeze %dma_wait3A_277 : memref<8x1x1280xf32, #tpu.memory_space<hbm>> -> memref<8x1280xf32, #tpu.memory_space<hbm>>
    %dma_wait3A_279 = arith.constant 0 : i32
    %dma_wait3A_280 = arith.constant 0 : i32
    %dma_wait3A_281 = tpu.memref_slice %arg10[%dma_wait3A_279, %min3A, %dma_wait3A_280] : memref<8x4x1280xf32, #tpu.memory_space<vmem>> -> memref<8x1x1280xf32, #tpu.memory_space<vmem>>
    %dma_wait3A_282 = tpu.memref_squeeze %dma_wait3A_281 : memref<8x1x1280xf32, #tpu.memory_space<vmem>> -> memref<8x1280xf32, #tpu.memory_space<vmem>>
    tpu.wait_dma2 semaphore(%arg15 : memref<!tpu.dma_semaphore, #tpu.memory_space<semaphore_mem>>) src(%dma_wait3A_282 : memref<8x1280xf32, #tpu.memory_space<vmem>>) dst(%dma_wait3A_278 : memref<8x1280xf32, #tpu.memory_space<hbm>>)
    return
  }
}

</mosaic_0001>

<sc_bundles>
// kernel: kernel.3.cloned.1.call-start
scs
__scs_entry_jumppad:
0x0: {  	(pc) =	sbr.rel $0x88, $3  }
0x1: {  	(tag) =	ssettag $0x0;
	lr =	simm.s32 $0x1  }
0x2: {  	[smem:$0x3F9D] =	sst lr;
	_ =	strace $0xD0000000  }
0x3: {  	_ = 	snop  }
0x4: {  	_ = 	snop  }
0x5: {  	_ = 	snop  }
0x6: {  	_ = 	snop  }
0x7: {  	_ = 	snop  }
__scs_overlays_trampoline_lowered:
0x8: {  	[smem:$0x3FAC] =	sst s0  }
0x9: {  	[smem:$0x3FAD] =	sst s1  }
0xa: {  	[smem:$0x3FAE] =	sst s2  }
0xb: {  	[smem:$0x3FAF] =	sst s3  }
0xc: {  	[smem:$0x3FB0] =	sst s4  }
0xd: {  	[smem:$0x3FB1] =	sst s5  }
0xe: {  	[smem:$0x3FB2] =	sst s6  }
0xf: {  	[smem:$0x3FB3] =	sst s7  }
0x10: {  	[smem:$0x3FB4] =	sst s8  }
0x11: {  	[smem:$0x3FB5] =	sst s9;
	s0 =	simm.s32 @!p0 $0x0  }
0x12: {  	s1 =	sld [smem:$0x3F9B];
	s0 =	simm.s32 @p0 $0x1  }
0x13: {  	[smem:$0x3FB6] =	sst s0;
	s0 =	simm.s32 @!p1 $0x0  }
0x14: {  	s2 =	sld [smem:$0x3F9A];
	s0 =	simm.s32 @p1 $0x1  }
0x15: {  	[smem:$0x3FB7] =	sst s0;
	s0 =	simm.s32 @!p2 $0x0  }
0x16: {  	s3 =	sld [smem:$0x3FDB];
	s0 =	simm.s32 @p2 $0x1  }
0x17: {  	s4 =	simm.s32 $0x1BF5;
	[smem:$0x3FB9] =	sst s0  }
0x18: {  	s0 =	sld [smem:$0x3F9C];
	_ =	swait.ge [sflag:s4], $0x0  }
0x19: {  	s7 =	sld [smem:$0x3F9D]  }
0x1a: {  	s8 =	sadd.s32 $0xFFFFE003, lr  }
0x1b: {  	s9 =	sadd.s32 $0xFFFFFEF7, lr;
	s5 =	simm.s32 $0xFFFFFFFF;
	p2 =	slt.u32 s8, $0xFFFFF086  }
0x1c: {  	p1 =	slt.u32 s9, $0xF7A;
	s5 =	simm.s32 @!p2 $0x0  }
0x1d: {  	s5 =	simm.s32 @p1 $0x1;
	p0 =	seq.s32 s7, s2  }
0x1e: {  	s7 =	smul.u32 @!p0 $0xF7A, s2;
	p2 =	seq.s32 @!p0 s5, $0x0  }
0x1f: {  	s9 =	smul.u32 $0xF7A, s1;
	s8 =	simm.s32 @!p0 $0x1BF5;
	p2 =	por !p2, p0  }
0x20: {  	[sflag:s8] =	ssyncset.s32 @!p0 $0xFFFFF086;
	s6 =	sadd.s32 @!p0 s3, s7;
	s7 =	simm.s32 @!p0 $0x108  }
0x21: {  	s3 =	sadd.s32 s3, s9;
	s6 =	sadd.s32 @!p0 $0x88, s6;
	s7 =	simm.s32 @p2 $0x1082  }
0x22: {  	[simem:s7], [sflag:s8] =	dma.local @!p0 [hbm:s6], $0xF7A  }
0x23: {  	s9 =	sor.u32 $0xD0000000, s2;
	s6 =	simm.s32 $0x108;
	_ =	swait.ge @!p0 [sflag:s8], $0x0  }
0x24: {  	s3 =	sadd.s32 $0x88, s3;
	s6 =	simm.s32 @!p1 $0x1082;
	[sflag:s4] =	ssyncset.s32 $0xFFFFF086  }
0x25: {  	[simem:s6], [sflag:s4] =	dma.local [hbm:s3], $0xF7A  }
0x26: {  	[smem:$0x3F9D] =	sst s1;
	(tag) =	ssettag s2;
	_ =	strace s9  }
0x27: {  	s1 =	sld [smem:$0x3FAD]  }
0x28: {  	s2 =	sld [smem:$0x3FAE]  }
0x29: {  	s4 =	sld [smem:$0x3FB0]  }
0x2a: {  	p0 =	seq.s32 s5, $0x0;
	s5 =	sld [smem:$0x3FB1]  }
0x2b: {  	s6 =	sld [smem:$0x3FB2]  }
0x2c: {  	s7 =	sld [smem:$0x3FB3]  }
0x2d: {  	s3 =	simm.s32 $0x108;
	s8 =	sld [smem:$0x3FB4]  }
0x2e: {  	s3 =	simm.s32 @!p0 $0x1082;
	s9 =	sld [smem:$0x3FB5]  }
0x2f: {  	lr =	sadd.s32 s0, s3;
	s0 =	sld [smem:$0x3FAC]  }
0x30: {  	s3 =	sld [smem:$0x3FAF]  }
0x31: {  	[smem:$0x3FB8] =	sst s10  }
0x32: {  	s10 =	sld [smem:$0x3FB6];
	_ =	sdelay $0x3  }
0x33: {  	p0 =	seq.s32 s10, $0x1;
	s10 =	sld [smem:$0x3FB8];
	_ =	sdelay $0x3  }
0x34: {  	[smem:$0x3FB8] =	sst s10  }
0x35: {  	s10 =	sld [smem:$0x3FB7];
	_ =	sdelay $0x3  }
0x36: {  	p1 =	seq.s32 s10, $0x1;
	s10 =	sld [smem:$0x3FB8];
	_ =	sdelay $0x3  }
0x37: {  	[smem:$0x3FB8] =	sst s10  }
0x38: {  	s10 =	sld [smem:$0x3FB9]  }
0x39: {  	_ = 	snop;
	(pc) =	sbr.ind lr, $3  }
0x3a: {  	_ = 	snop  }
0x3b: {  	_ = 	snop  }
0x3c: {  	p2 =	seq.s32 s10, $0x1;
	s10 =	sld [smem:$0x3FB8]  }
0x3d: {  	_ =	shalt  }
0x3e: {  	_ =	shalt  }
0x3f: {  	_ =	shalt  }
0x40: {  	_ =	shalt  }
0x41: {  	_ =	shalt  }
0x42: {  	_ =	shalt  }
0x43: {  	_ =	shalt  }
0x44: {  	_ =	shalt  }
0x45: {  	_ =	shalt  }
0x46: {  	_ =	shalt  }
0x47: {  	_ =	shalt  }
0x48: {  	_ =	shalt  }
0x49: {  	_ =	shalt  }
0x4a: {  	_ =	shalt  }
0x4b: {  	_ =	shalt  }
0x4c: {  	_ =	shalt  }
0x4d: {  	_ =	shalt  }
0x4e: {  	_ =	shalt  }
0x4f: {  	_ =	shalt  }
0x50: {  	_ =	shalt  }
0x51: {  	_ =	shalt  }
0x52: {  	_ =	shalt  }
0x53: {  	_ =	shalt  }
0x54: {  	_ =	shalt  }
0x55: {  	_ =	shalt  }
0x56: {  	_ =	shalt  }
0x57: {  	_ =	shalt  }
0x58: {  	_ =	shalt  }
0x59: {  	_ =	shalt  }
0x5a: {  	_ =	shalt  }
0x5b: {  	_ =	shalt  }
0x5c: {  	_ =	shalt  }
0x5d: {  	_ =	shalt  }
0x5e: {  	_ =	shalt  }
0x5f: {  	_ =	shalt  }
0x60: {  	_ =	shalt  }
0x61: {  	_ =	shalt  }
0x62: {  	_ =	shalt  }
0x63: {  	_ =	shalt  }
0x64: {  	_ =	shalt  }
0x65: {  	_ =	shalt  }
0x66: {  	_ =	shalt  }
0x67: {  	_ =	shalt  }
0x68: {  	_ =	shalt  }
0x69: {  	_ =	shalt  }
0x6a: {  	_ =	shalt  }
0x6b: {  	_ =	shalt  }
0x6c: {  	_ =	shalt  }
0x6d: {  	_ =	shalt  }
0x6e: {  	_ =	shalt  }
0x6f: {  	_ =	shalt  }
0x70: {  	_ =	shalt  }
0x71: {  	_ =	shalt  }
0x72: {  	_ =	shalt  }
0x73: {  	_ =	shalt  }
0x74: {  	_ =	shalt  }
0x75: {  	_ =	shalt  }
0x76: {  	_ =	shalt  }
0x77: {  	_ =	shalt  }
0x78: {  	_ =	shalt  }
0x79: {  	_ =	shalt  }
0x7a: {  	_ =	shalt  }
0x7b: {  	_ =	shalt  }
0x7c: {  	_ =	shalt  }
0x7d: {  	_ =	shalt  }
0x7e: {  	_ =	shalt  }
0x7f: {  	_ =	shalt  }
0x80: {  	_ =	shalt  }
0x81: {  	_ =	shalt  }
0x82: {  	_ =	shalt  }
0x83: {  	_ =	shalt  }
0x84: {  	_ =	shalt  }
0x85: {  	_ =	shalt  }
0x86: {  	_ =	shalt  }
0x87: {  	_ =	shalt  }
.Lfunc_end0:
.L_simem_size_0:
called_computation_lowered:
.L_overlay_start_0:
0x88: {  	s2 =	sld [smem:$0x3FD9]  }
0x89: {  	s3 =	sld [smem:$0x3FFE];
	_ =	sdelay $0x1  }
0x8a: {  	s1 =	srdreg.scid  }
0x8b: {  	s0 =	sand.u32 $0x1, s1  }
0x8c: {  	s18 =	sshll.u32 s0, $0xA;
	s2 =	sadd.s32 s3, s2  }
0x8d: {  	s2 =	sadd.s32 s2, s18  }
0x8e: {  	[smem:$0x3FC4] =	sst s2  }
0x8f: {  	_ = 	snop  }
0x90: {  	s2 =	sld [smem:$0x3FC9]  }
0x91: {  	s19 =	sld [smem:$0x3FC8]  }
0x92: {  	s4 =	sld [smem:$0x3FC7]  }
0x93: {  	s5 =	sld [smem:$0x3FC6]  }
0x94: {  	s6 =	sld [smem:$0x3FD0];
	(tm) =	ssettm $0x1  }
0x95: {  	s7 =	sld [smem:$0x3FFB];
	_ =	sdelay $0x3  }
0x96: {  	_ =	strace s7  }
0x97: {  	s7 =	sld [smem:$0x3FFC];
	_ =	sdelay $0x3  }
0x98: {  	_ =	strace s7  }
0x99: {  	s7 =	sld [smem:$0x3FFD];
	_ =	sdelay $0x3  }
0x9a: {  	_ =	strace s7  }
0x9b: {  	_ =	strace $0x8FFFFFFF  }
0x9c: {  	s20 =	sld [smem:$0x3FDB];
	_ =	sdelay $0x1  }
0x9d: {  	s8 =	simm.s32 $_scs_section_size  }
0x9e: {  	s9 =	simm.s32 $_size__tile_overlayer_lowered;
	s10 =	simm.s32 $_tile_overlayer_lowered  }
0x9f: {  	s23 =	simm.s32 $0x1BFF;
	s22 =	sshll.u32 s10, $0x1;
	s7 =	sadd.s32 s8, s20  }
0xa0: {  	s11 =	simm.s32 $0x0;
	s21 =	sshll.u32 s9, $0x1;
	s9 =	sadd.s32 s22, s7  }
0xa1: {  	[timem:s11], [sflag:s23] =	dma.local [hbm:s9], s21  }
0xa2: {  	_ =	swait.ge [sflag:s23], s21  }
0xa3: {  	s8 =	ssub.s32 $0x0, s21;
	[sflag:s23] =	ssyncset.done $0x0  }
0xa4: {  	[sflag:s23] =	ssyncadd.s32 s8;
	_ =	sdelay $0x1  }
0xa5: {  	s24 =	simm.s32 $0x1B8B  }
0xa6: {  	_ =	swait.ge [sflag:s24], $0x1  }
0xa7: {  	[sflag:s24] =	ssyncset.done $0x0  }
0xa8: {  	s25 =	simm.s32 $0x1B8E;
	[sflag:s24] =	ssyncadd.s32 $0xFFFFFFFF  }
0xa9: {  	s26 =	simm.s32 $execute0_lowered;
	[smem:$0x3FD2] =	sst s25  }
0xaa: {  	s8 =	sshll.u32 s26, $0x1;
	_ =	strace $0x80000046;
	[dreg:$0x1] =	wrdreg $0xFFFFFFFF  }
0xab: {  	s28 =	simm.s32 $_size_execute0_lowered;
	s7 =	sadd.s32 s7, s8;
	[dreg:$0x0] =	wrdreg $0x0  }
0xac: {  	s8 =	sshll.u32 s28, $0x1;
	[dreg:$0x2] =	wrdreg s7  }
0xad: {  	[dreg:$0x3] =	wrdreg s8  }
0xae: {  	[dreg:$0x4] =	wrdreg $0xC0  }
0xaf: {  	_ =	task [dreg:s11], $0x5FFFF  }
0xb0: {  	[dreg:$0x1] =	wrdreg $0xFFFFFFFF  }
0xb1: {  	[dreg:$0x0] =	wrdreg $0x60  }
0xb2: {  	[dreg:$0x2] =	wrdreg s2  }
0xb3: {  	[dreg:$0x3] =	wrdreg s4  }
0xb4: {  	[dreg:$0x4] =	wrdreg s19  }
0xb5: {  	[dreg:$0x5] =	wrdreg s5  }
0xb6: {  	[dreg:$0x6] =	wrdreg s6  }
0xb7: {  	[dreg:$0x7] =	wrdreg $0x9  }
0xb8: {  	_ =	task.clear_ibuf [dreg:s11], $0x8FFFF;
	_ =	strace $0x90000046  }
0xb9: {  	s29 =	simm.s32 $0x9;
	_ =	strace $0x80000048  }
0xba: {  	_ =	swait.ge [sflag:s29], $0x1  }
0xbb: {  	[sflag:s29] =	ssyncadd.s32 $0xFFFFFFFF  }
0xbc: {  	_ =	strace $0x90000048  }
0xbd: {  	_ =	sfence  }
0xbe: {  	s30 =	sld [smem:$0x0];
	_ =	sdelay $0x2  }
0xbf: {  	s31 =	sshll.u32 s1, $0xD;
	s1 =	sshrl.u32 s1, $0x2  }
0xc0: {  	s3 =	sand.u32 $0x4000, s31;
	s1 =	sadd.s32 s1, s30  }
0xc1: {  	s0 =	sor.u32 s3, s0;
	s1 =	sshll.u32 s1, $0x11  }
0xc2: {  	s0 =	sor.u32 s1, s0  }
0xc3: {  	s0 =	sadd.s32 $0x8F2B, s0  }
0xc4: {  	[sflag:s0] =	ssyncadd.remote.s32 $0x1  }
0xc5: {  	_ =	sfence.sel $0xFFFF  }
0xc6: {  	[dreg:$0x0] =	wrdreg $0xFFFFFFFF;
	(pc) =	sbr.abs _section_cstart, $3  }
0xc7: {  	[dreg:$0x1] =	wrdreg $0xFFFFFFFF  }
0xc8: {  	_ =	task.clear_ibuf [dreg:s11], $0x2FFFF;
	_ =	strace $0x9FFFFFFF  }
0xc9: {  	(tm) =	ssettm $0x7FFFFFFF  }
tec
execute0_lowered:
.L_overlay_start_1:
0x0: {  	(tag) =	ssettag $0x1  }
0x1: {  	s3 =	rddreg [dreg:$0x0]  }
0x2: {  	s0 =	srdreg.scid;
	s4 =	rddreg [dreg:$0x3]  }
0x3: {  	s1 =	stileid.u32;
	s15 =	rddreg [dreg:$0x4];
	s5 =	simm.s32 $0x0  }
0x4: {  	s19 =	simm.s32 $0x14600;
	s20 =	simm.s32 $0x4;
	s21 =	simm.s32 $0x80  }
0x5: {  	s22 =	simm.s32 $0x100;
	s0 =	sand.u32 $0x1, s0;
	s2 =	sshll.u32 s1, $0x1  }
0x6: {  	s23 =	simm.s32 $0x2;
	s24 =	simm.s32 $0x1;
	s14 =	sor.u32 s0, s2  }
0x7: {  	s25 =	simm.s32 $0x3;
	s6 =	sshll.u32 s14, $0x5;
	s7 =	smul.u32 $0x5000, s14  }
0x8: {  	s26 =	simm.s32 $0x0;
	s12 =	smul.u32 $0x1400, s14;
	s8 =	sor.u32 $0x8, s6  }
0x9: {  	[smem:$0x7FF] =	sst s5;
	s10 =	sor.u32 $0x10, s6;
	s9 =	smul.u32 $0x280, s8  }
0xa: {  	s31 =	sadd.s32 $0xA0000, s3;
	s13 =	sor.u32 $0x18, s6;
	s11 =	smul.u32 $0x280, s10  }
0xb: {  	s2 =	rddreg [dreg:$0x2];
	s0 =	ssub.s32 $0x2, s0;
	s16 =	smul.u32 $0x280, s13  }
0xc: {  	_ =	strace $0x80000047;
	[dreg:$0x6] =	wrdreg s31;
	s17 =	smul.u32 $0xA0, s8  }
0xd: {  	s30 =	sshrl.u32 s0, $0x1;
	p0 =	sne.s32 s14, $0x0;
	s18 =	smul.u32 $0xA0, s10  }
.Ltmp0:
0xe: {  	s0 =	ssub.s32 s0, s30;
	s6 =	sadd.s32 s3, s7;
	(pc) =	sbr.rel .LBB2_1-.Ltmp0, $4  }
0xf: {  	s13 =	smul.u32 $0xA0, s13;
	s7 =	sadd.s32 s3, s9;
	s8 =	sadd.s32 s3, s11  }
0x10: {  	s9 =	sadd.s32 s15, s12;
	s10 =	sadd.s32 s3, s16;
	s11 =	sadd.s32 s15, s17  }
0x11: {  	s12 =	sadd.s32 s15, s18;
	s13 =	sadd.s32 s15, s13;
	s15 =	sadd.s32 $0x28000, s15  }
0x12: {  	s16 =	smax.u32 s0, $0x1;
	s17 =	simm.s32 $0x600;
	s18 =	simm.s32 $0xA600  }
.LBB2_22:
0x13: {  	_ =	sdelay $0x3  }
0x14: {  	s1 =	sor.u32 s14, s31;
	[tilespmem:v1+s0+$0x600 ss:$0x1] =	vst.idx.msk $0xffff, v2  }
0x15: {  	v2 =	vld.idx.msk [tilespmem:v1+s1+$0x600 ss:$0x1], $0xffff  }
0x16: {  	s31 =	sshra.s32 s3, $0x2  }
0x17: {  	v3 =	vld [tilespmem:s31+$0x100];
	_ =	sdelay $0x2  }
0x18: {  	v0 =	vmul.f32 v2, v0;
	_ =	sdelay $0x1  }
0x19: {  	v0 =	vadd.f32 v0, v3;
	_ =	sdelay $0x1  }
0x1a: {  	[tilespmem:v1+s1+$0x600 ss:$0x1] =	vst.idx.msk $0xffff, v0  }
0x1b: {  	[hbm4b:s15+s5] =	stream.linear.scatter [tilespmem:s29], [sflag:$0x4], $0x80, $0x38;
	[tilespmem:$0x1E600] =	vst v63  }
0x1c: {  	s3 =	sadd.s32 $0x10, s15;
	s1 =	sor.u32 $0x800, s28  }
0x1d: {  	[hbm4b:s3+s5] =	stream.linear.scatter [tilespmem:s1], [sflag:$0x4], $0x80, $0x38;
	[tilespmem:$0x1E600] =	vst v63  }
0x1e: {  	s14 =	sor.u32 $0xA00, s28;
	s29 =	sadd.s32 $0x20, s15  }
0x1f: {  	[hbm4b:s29+s5] =	stream.linear.scatter [tilespmem:s14], [sflag:$0x4], $0x80, $0x38;
	[tilespmem:$0x1E600] =	vst v63  }
0x20: {  	s30 =	sor.u32 $0xC00, s28;
	s31 =	sadd.s32 $0x30, s15  }
0x21: {  	[hbm4b:s31+s5] =	stream.linear.scatter [tilespmem:s30], [sflag:$0x4], $0x80, $0x38;
	[tilespmem:$0x1E600] =	vst v63  }
0x22: {  	s1 =	sor.u32 $0xE00, s28;
	s3 =	sadd.s32 $0x40, s15  }
0x23: {  	[hbm4b:s3+s5] =	stream.linear.scatter [tilespmem:s1], [sflag:$0x4], $0x80, $0x38;
	[tilespmem:$0x1E600] =	vst v63  }
0x24: {  	s14 =	sor.u32 $0x1000, s28;
	s29 =	sadd.s32 $0x50, s15  }
0x25: {  	[hbm4b:s29+s5] =	stream.linear.scatter [tilespmem:s14], [sflag:$0x4], $0x80, $0x38;
	[tilespmem:$0x1E600] =	vst v63  }
0x26: {  	s30 =	sor.u32 $0x1200, s28;
	s31 =	sadd.s32 $0x60, s15  }
0x27: {  	[hbm4b:s31+s5] =	stream.linear.scatter [tilespmem:s30], [sflag:$0x4], $0x80, $0x38;
	[tilespmem:$0x1E600] =	vst v63  }
0x28: {  	s1 =	sor.u32 $0x1400, s28;
	s3 =	sadd.s32 $0x70, s15  }
0x29: {  	[hbm4b:s3+s5] =	stream.linear.scatter [tilespmem:s1], [sflag:$0x4], $0x80, $0x38;
	[tilespmem:$0x1E600] =	vst v63  }
0x2a: {  	s14 =	sor.u32 $0x1600, s28;
	s29 =	sadd.s32 $0x80, s15  }
0x2b: {  	[hbm4b:s29+s5] =	stream.linear.scatter [tilespmem:s14], [sflag:$0x4], $0x80, $0x38;
	[tilespmem:$0x1E600] =	vst v63  }
0x2c: {  	s30 =	sor.u32 $0x1800, s28;
	s31 =	sadd.s32 $0x90, s15  }
0x2d: {  	[hbm4b:s31+s5] =	stream.linear.scatter [tilespmem:s30], [sflag:$0x4], $0x80, $0x38;
	[tilespmem:$0x1E600] =	vst v63  }
0x2e: {  	_ =	swait.ge [sflag:s20], $0x500  }
0x2f: {  	[sflag:s20] =	ssyncset.done $0x0  }
0x30: {  	[sflag:s20] =	ssyncadd.s32 $0xFFFFFB00  }
.LBB2_23:
0x31: {  	_ =	swait.ge [sflag:s25], $0x2800  }
0x32: {  	[sflag:s25] =	ssyncset.done $0x0  }
0x33: {  	s26 =	sadd.s32 $0x1, s26;
	[sflag:s25] =	ssyncadd.s32 $0xFFFFD800  }
0x34: {  	p1 =	sne.s32 s26, s16;
	_ =	swait.ge [sflag:s25], $0x2800  }
.Ltmp1:
0x35: {  	[sflag:s25] =	ssyncset.done $0x0;
	(pc) =	sbr.rel @!p1 .LBB2_24-.Ltmp1, $4  }
0x36: {  	[sflag:s25] =	ssyncadd.s32 $0xFFFFD800  }
0x37: {  	_ =	swait.ge [sflag:s25], $0x2800  }
0x38: {  	[sflag:s25] =	ssyncset.done $0x0  }
0x39: {  	[sflag:s25] =	ssyncadd.s32 $0xFFFFD800  }
.LBB2_1:
0x3a: {  	[tilespmem:s17], [sflag:$0x1] =	stream.linear.gather [hbm4b:s6+s5], $0xA000, $0x38;
	[tilespmem:$0x1E600] =	vst v63  }
0x3b: {  	_ = 	snop  }
0x3c: {  	[tilespmem:s18], [sflag:$0x1] =	stream.linear.gather [hbm4b:s7+s5], $0xA000, $0x38;
	[tilespmem:$0x1E600] =	vst v63  }
0x3d: {  	_ = 	snop  }
0x3e: {  	[tilespmem:s19], [sflag:$0x1] =	stream.linear.gather [hbm4b:s8+s5], $0xA000, $0x38;
	[tilespmem:$0x1E600] =	vst v63  }
0x3f: {  	_ = 	snop  }
0x40: {  	[tilespmem:s5], [sflag:$0x4] =	stream.linear.gather [hbm4b:s2+s5], $0x2, $0x38;
	[tilespmem:$0x1E600] =	vst v63  }
0x41: {  	_ =	swait.ge [sflag:s20], $0x2  }
0x42: {  	[sflag:s20] =	ssyncset.done $0x0  }
0x43: {  	[sflag:s20] =	ssyncadd.s32 $0xFFFFFFFE  }
0x44: {  	[tilespmem:s21], [sflag:$0x4] =	stream.linear.gather [hbm4b:s4+s5], $0x1, $0x38;
	[tilespmem:$0x1E600] =	vst v63  }
0x45: {  	_ =	swait.ge [sflag:s20], $0x1  }
0x46: {  	[sflag:s20] =	ssyncset.done $0x0  }
0x47: {  	[sflag:s20] =	ssyncadd.s32 $0xFFFFFFFF  }
0x48: {  	v0 =	vld [tilespmem:$0x0];
	_ =	sdelay $0x4  }
0x49: {  	(v2sf) =	vpush v0, $0x0  }
0x4a: {  	(v2sf) =	vpush v0, $0x1;
	_ =	sdelay $0xd  }
0x4b: {  	s0 =	spop (v2sf)  }
0x4c: {  	s3 =	spop (v2sf)  }
0x4d: {  	s0 =	smul.u32 s3, s0;
	_ =	sdelay $0x1  }
0x4e: {  	s0 =	sadd.s32 $0xFFFFFFFF, s0  }
0x4f: {  	p1 =	sgt.s32 s0, $0x0;
	s3 =	smov.u32 s0  }
0x50: {  	s3 =	simm.s32 @!p1 $0x0  }
0x51: {  	s14 =	smin.u32 s3, $0xF  }
0x52: {  	s14 =	smul.u32 $0xA0, s14  }
0x53: {  	s1 =	rddreg [dreg:$0x1]  }
0x54: {  	s14 =	sadd.s32 s1, s14  }
0x55: {  	[tilespmem:s22], [sflag:$0x2] =	stream.linear.gather [hbm4b:s14+s5], $0x500, $0x38;
	[tilespmem:$0x1E600] =	vst v63  }
0x56: {  	v0 =	vld [tilespmem:$0x80];
	_ =	sdelay $0x4  }
0x57: {  	v0 =	vadd.f32 v0, v0;
	_ =	sdelay $0x1  }
0x58: {  	v0 =	vmul.f32 $1.442695020e+00, v0;
	_ =	sdelay $0x1  }
0x59: {  	v0 =	vbroadcast v0, $0x0;
	_ =	sdelay $0x1  }
0x5a: {  	(erf) = vpow2.f32 v0;
	_ =	sdelay $0x8  }
0x5b: {  	v0 =	vpop (erf)  }
0x5c: {  	v0 =	vadd.f32 $1.000000000e+00, v0;
	_ =	sdelay $0x1  }
0x5d: {  	(erf) = vrcp.f32 v0;
	_ =	sdelay $0x8  }
0x5e: {  	v0 =	vpop (erf)  }
0x5f: {  	v0 =	vadd.f32 v0, v0;
	_ =	swait.ge [sflag:s23], $0x500  }
0x60: {  	[sflag:s23] =	ssyncset.done $0x0  }
0x61: {  	s28 =	simm.s32 $0x0;
	s14 =	simm.s32 $0x40;
	v0 =	vsub.f32 $1.000000000e+00, v0;
	[sflag:s23] =	ssyncadd.s32 $0xFFFFFB00  }
.LBB2_2:
0x62: {  	p1 =	sne.s32 s14, $0x13C0;
	v1 =	vld [tilespmem:s28+$0x100];
	_ =	sdelay $0x2  }
.Ltmp2:
0x63: {  	(pc) =	sbr.rel @p1 .LBB2_2-.Ltmp2, $3  }
0x64: {  	_ = 	snop  }
0x65: {  	v1 =	vmul.f32 v1, v0;
	_ =	sdelay $0x1  }
0x66: {  	[tilespmem:s28+$0x100] =	vst v1;
	s28 =	sshra.s32 s14, $0x2;
	s14 =	sadd.s32 $0x40, s14  }
0x67: {  	v1 =	vld [tilespmem:s28+$0x100];
	_ =	sdelay $0x4  }
0x68: {  	v0 =	vmul.f32 v1, v0;
	_ =	sdelay $0x1  }
0x69: {  	s3 =	smin.u32 s3, $0x3;
	s14 =	simm.s32 $0x0;
	[tilespmem:s28+$0x100] =	vst v0  }
0x6a: {  	s1 =	sand.u32 $0x1E00, s14;
	s28 =	sshll.u32 s3, $0x7;
	_ =	swait.ge [sflag:s24], $0xA000  }
0x6b: {  	s14 =	sand.u32 $0x70, s14;
	s3 =	sor.u32 s28, s1;
	[sflag:s24] =	ssyncset.done $0x0  }
0x6c: {  	s29 =	sadd.s32 s14, s3;
	[sflag:s24] =	ssyncadd.s32 $0xFFFF6000  }
0x6d: {  	v1 =	vld [tilespmem:s29+$0x6A00]  }
0x6e: {  	s1 =	simm.s32 $0x0;
	v2 =	vld [tilespmem:s29+$0x9200]  }
0x6f: {  	p1 =	slt.s32 s0, $0x4;
	s0 =	simm.f32 $1.000000000e+00;
	v7 =	vld [tilespmem:s1+$0x100]  }
0x70: {  	s0 =	simm.s32 @!p1 $0x0;
	v3 =	vld [tilespmem:s29+$0x4200]  }
0x71: {  	v0 =	vmov s0;
	v4 =	vld [tilespmem:s29+$0x600]  }
0x72: {  	v5 =	vld [tilespmem:s29+$0x1A00];
	v1 =	vmul.f32 v1, v0  }
0x73: {  	s31 =	simm.s32 $0x40;
	v6 =	vld [tilespmem:s29+$0x7E00];
	v2 =	vmul.f32 v2, v0  }
0x74: {  	s3 =	simm.s32 $0x10;
	s14 =	sand.u32 $0x1E00, s31;
	v8 =	vld [tilespmem:s29+$0x2E00];
	v1 =	vadd.f32 v1, v7  }
0x75: {  	s0 =	sand.u32 $0x70, s3;
	s3 =	sor.u32 s28, s14;
	v3 =	vmul.f32 v3, v0;
	v2 =	vadd.f32 v2, v7  }
0x76: {  	v9 =	vld [tilespmem:s29+$0x5600];
	s30 =	sadd.s32 s0, s3;
	v4 =	vmul.f32 v4, v0;
	[tilespmem:s29+$0x6A00] =	vst v1  }
0x77: {  	v10 =	vadd.f32 v3, v7;
	v1 =	vld [tilespmem:s30+$0x6A00];
	[tilespmem:s29+$0x9200] =	vst v2;
	v2 =	vmul.f32 v5, v0  }
0x78: {  	v6 =	vmul.f32 v6, v0;
	v4 =	vadd.f32 v4, v7  }
0x79: {  	v8 =	vmul.f32 v8, v0;
	v3 =	vld [tilespmem:s30+$0x9200];
	[tilespmem:s29+$0x4200] =	vst v10;
	v63 =	vadd.f32 v2, v7  }
0x7a: {  	v6 =	vadd.f32 v6, v7;
	v5 =	vld [tilespmem:s30+$0x4200];
	[tilespmem:s29+$0x600] =	vst v4  }
0x7b: {  	v9 =	vmul.f32 v9, v0;
	v8 =	vadd.f32 v8, v7;
	v2 =	vld [tilespmem:s30+$0x600];
	[tilespmem:s29+$0x1A00] =	vst v63  }
0x7c: {  	v4 =	vld [tilespmem:s30+$0x1A00];
	[tilespmem:s29+$0x7E00] =	vst v6  }
0x7d: {  	s3 =	simm.s32 $0x20;
	s0 =	simm.s32 $0x10;
	v7 =	vadd.f32 v9, v7;
	v6 =	vld [tilespmem:s30+$0x7E00];
	[tilespmem:s29+$0x2E00] =	vst v8  }
.LBB2_4:
0x7e: {  	p1 =	sne.s32 s3, $0x4F0;
	s31 =	sadd.s32 $0x40, s31  }
0x7f: {  	v8 =	vld [tilespmem:s30+$0x2E00];
	[tilespmem:s29+$0x5600] =	vst v7;
	s14 =	smov.u32 s3;
	s3 =	sadd.s32 $0x10, s3;
	s29 =	smov.u32 s30  }
0x80: {  	v3 =	vmul.f32 v3, v0;
	v9 =	vld [tilespmem:s0+$0x100]  }
0x81: {  	v5 =	vmul.f32 v5, v0;
	v7 =	vld [tilespmem:s29+$0x5600]  }
0x82: {  	v1 =	vmul.f32 v1, v0;
	s0 =	sand.u32 $0x1E00, s31  }
0x83: {  	s14 =	sand.u32 $0x70, s14;
	s0 =	sor.u32 s28, s0;
	v6 =	vmul.f32 v6, v0  }
0x84: {  	v2 =	vmul.f32 v2, v0;
	s30 =	sadd.s32 s14, s0;
	v4 =	vmul.f32 v4, v0  }
0x85: {  	v8 =	vmul.f32 v8, v0;
	v1 =	vadd.f32 v1, v9;
	v3 =	vadd.f32 v3, v9  }
0x86: {  	v4 =	vadd.f32 v4, v9;
	v5 =	vadd.f32 v5, v9;
	v7 =	vmul.f32 v7, v0  }
0x87: {  	v2 =	vadd.f32 v2, v9;
	v8 =	vadd.f32 v8, v9;
	[tilespmem:s29+$0x6A00] =	vst v1  }
0x88: {  	v6 =	vadd.f32 v6, v9;
	v1 =	vld [tilespmem:s30+$0x6A00];
	v7 =	vadd.f32 v7, v9;
	[tilespmem:s29+$0x9200] =	vst v3  }
.Ltmp3:
0x89: {  	v3 =	vld [tilespmem:s30+$0x9200];
	[tilespmem:s29+$0x4200] =	vst v5;
	(pc) =	sbr.rel @p1 .LBB2_4-.Ltmp3, $4  }
0x8a: {  	v5 =	vld [tilespmem:s30+$0x4200];
	[tilespmem:s29+$0x600] =	vst v2  }
0x8b: {  	v2 =	vld [tilespmem:s30+$0x600];
	[tilespmem:s29+$0x1A00] =	vst v4  }
0x8c: {  	v4 =	vld [tilespmem:s30+$0x1A00];
	[tilespmem:s29+$0x7E00] =	vst v6  }
0x8d: {  	s0 =	sshra.s32 s31, $0x2;
	v6 =	vld [tilespmem:s30+$0x7E00];
	[tilespmem:s29+$0x2E00] =	vst v8  }
0x8e: {  	v8 =	vld [tilespmem:s30+$0x2E00];
	[tilespmem:s29+$0x5600] =	vst v7  }
0x8f: {  	v7 =	vld [tilespmem:s0+$0x100];
	_ =	sdelay $0x2  }
0x90: {  	v1 =	vmul.f32 v1, v0  }
0x91: {  	v3 =	vmul.f32 v3, v0  }
0x92: {  	v5 =	vmul.f32 v5, v0;
	v9 =	vld [tilespmem:s30+$0x5600];
	v1 =	vadd.f32 v1, v7  }
0x93: {  	v2 =	vmul.f32 v2, v0;
	v3 =	vadd.f32 v3, v7  }
0x94: {  	v4 =	vmul.f32 v4, v0;
	v5 =	vadd.f32 v5, v7;
	[tilespmem:s30+$0x6A00] =	vst v1  }
0x95: {  	v2 =	vadd.f32 v2, v7;
	v1 =	vmul.f32 v6, v0;
	[tilespmem:s30+$0x9200] =	vst v3  }
0x96: {  	v4 =	vadd.f32 v4, v7;
	v3 =	vmul.f32 v8, v0;
	[tilespmem:s30+$0x4200] =	vst v5  }
0x97: {  	v63 =	vmul.f32 v9, v0;
	[tilespmem:s30+$0x600] =	vst v2;
	v1 =	vadd.f32 v1, v7  }
0x98: {  	[tilespmem:s30+$0x1A00] =	vst v4;
	v2 =	vadd.f32 v3, v7  }
0x99: {  	v3 =	vadd.f32 v63, v7;
	[tilespmem:s30+$0x7E00] =	vst v1  }
0x9a: {  	s29 =	sor.u32 $0x600, s28;
	s0 =	simm.s32 $0x10;
	[tilespmem:s30+$0x2E00] =	vst v2  }
0x9b: {  	s3 =	sadd.s32 $0x200, s29;
	s14 =	smov.u32 s29;
	[tilespmem:s30+$0x5600] =	vst v3;
	s30 =	sadd.s32 $0x0, s9  }
.LBB2_6:
0x9c: {  	[hbm4b:s30+s5] =	stream.linear.scatter [tilespmem:s14], [sflag:$0x3], $0x80, $0x38;
	[tilespmem:$0x1E600] =	vst v63  }
0x9d: {  	s30 =	smov.u32 s0;
	s14 =	smov.u32 s3;
	p1 =	sne.s32 s0, $0x4F0  }
.Ltmp4:
0x9e: {  	s0 =	sadd.s32 $0x10, s0;
	(pc) =	sbr.rel @p1 .LBB2_6-.Ltmp4, $2  }
0x9f: {  	_ =	sdelay $0x2  }
0xa0: {  	s3 =	sadd.s32 $0x200, s3;
	s30 =	sadd.s32 s30, s9  }
0xa1: {  	[hbm4b:s30+s5] =	stream.linear.scatter [tilespmem:s14], [sflag:$0x3], $0x80, $0x38;
	[tilespmem:$0x1E600] =	vst v63  }
0xa2: {  	_ =	swait.ge [sflag:s25], $0x2800  }
0xa3: {  	[sflag:s25] =	ssyncset.done $0x0  }
0xa4: {  	s0 =	simm.s32 $0x0;
	[sflag:s25] =	ssyncadd.s32 $0xFFFFD800  }
0xa5: {  	[tilespmem:s17], [sflag:$0x1] =	stream.linear.gather [hbm4b:s10+s0], $0xA000, $0x38;
	[tilespmem:$0x1E600] =	vst v63  }
0xa6: {  	s3 =	sand.u32 $0x1E00, s0;
	_ =	swait.ge [sflag:s24], $0xA000  }
0xa7: {  	s3 =	sor.u32 s28, s3;
	s0 =	sand.u32 $0x70, s0;
	[sflag:s24] =	ssyncset.done $0x0  }
0xa8: {  	s30 =	sadd.s32 s0, s3;
	[sflag:s24] =	ssyncadd.s32 $0xFFFF6000  }
0xa9: {  	v1 =	vld [tilespmem:s30+$0x10A00]  }
0xaa: {  	s3 =	simm.s32 $0x0;
	v2 =	vld [tilespmem:s30+$0x13200]  }
0xab: {  	v7 =	vld [tilespmem:s3+$0x100]  }
0xac: {  	v3 =	vld [tilespmem:s30+$0xE200]  }
0xad: {  	v4 =	vld [tilespmem:s30+$0xA600]  }
0xae: {  	v5 =	vld [tilespmem:s30+$0xBA00];
	v1 =	vmul.f32 v1, v0  }
0xaf: {  	v6 =	vld [tilespmem:s30+$0x11E00];
	s3 =	simm.s32 $0x40;
	v2 =	vmul.f32 v2, v0  }
0xb0: {  	s14 =	simm.s32 $0x10;
	v8 =	vld [tilespmem:s30+$0xCE00];
	s1 =	sand.u32 $0x1E00, s3;
	v1 =	vadd.f32 v1, v7  }
0xb1: {  	s0 =	sand.u32 $0x70, s14;
	s14 =	sor.u32 s28, s1;
	v3 =	vmul.f32 v3, v0;
	v2 =	vadd.f32 v2, v7  }
0xb2: {  	v9 =	vld [tilespmem:s30+$0xF600];
	s31 =	sadd.s32 s0, s14;
	v4 =	vmul.f32 v4, v0;
	[tilespmem:s30+$0x10A00] =	vst v1  }
0xb3: {  	v10 =	vadd.f32 v3, v7;
	v1 =	vld [tilespmem:s31+$0x10A00];
	[tilespmem:s30+$0x13200] =	vst v2;
	v2 =	vmul.f32 v5, v0  }
0xb4: {  	v6 =	vmul.f32 v6, v0;
	v4 =	vadd.f32 v4, v7  }
0xb5: {  	v8 =	vmul.f32 v8, v0;
	v3 =	vld [tilespmem:s31+$0x13200];
	[tilespmem:s30+$0xE200] =	vst v10;
	v63 =	vadd.f32 v2, v7  }
0xb6: {  	v6 =	vadd.f32 v6, v7;
	v5 =	vld [tilespmem:s31+$0xE200];
	[tilespmem:s30+$0xA600] =	vst v4  }
0xb7: {  	v9 =	vmul.f32 v9, v0;
	v8 =	vadd.f32 v8, v7;
	v2 =	vld [tilespmem:s31+$0xA600];
	[tilespmem:s30+$0xBA00] =	vst v63  }
0xb8: {  	v4 =	vld [tilespmem:s31+$0xBA00];
	[tilespmem:s30+$0x11E00] =	vst v6  }
0xb9: {  	s0 =	simm.s32 $0x20;
	s14 =	simm.s32 $0x10;
	v7 =	vadd.f32 v9, v7;
	v6 =	vld [tilespmem:s31+$0x11E00];
	[tilespmem:s30+$0xCE00] =	vst v8  }
.LBB2_8:
0xba: {  	p1 =	sne.s32 s0, $0x4F0;
	s3 =	sadd.s32 $0x40, s3  }
0xbb: {  	v8 =	vld [tilespmem:s31+$0xCE00];
	[tilespmem:s30+$0xF600] =	vst v7;
	s1 =	smov.u32 s0;
	s0 =	sadd.s32 $0x10, s0;
	s30 =	smov.u32 s31  }
0xbc: {  	v3 =	vmul.f32 v3, v0;
	v9 =	vld [tilespmem:s14+$0x100]  }
0xbd: {  	v5 =	vmul.f32 v5, v0;
	v7 =	vld [tilespmem:s30+$0xF600]  }
0xbe: {  	v1 =	vmul.f32 v1, v0;
	s14 =	sand.u32 $0x1E00, s3  }
0xbf: {  	s1 =	sand.u32 $0x70, s1;
	s14 =	sor.u32 s28, s14;
	v6 =	vmul.f32 v6, v0  }
0xc0: {  	v2 =	vmul.f32 v2, v0;
	s31 =	sadd.s32 s1, s14;
	v4 =	vmul.f32 v4, v0  }
0xc1: {  	v8 =	vmul.f32 v8, v0;
	v1 =	vadd.f32 v1, v9;
	v3 =	vadd.f32 v3, v9  }
0xc2: {  	v4 =	vadd.f32 v4, v9;
	v5 =	vadd.f32 v5, v9;
	v7 =	vmul.f32 v7, v0  }
0xc3: {  	v2 =	vadd.f32 v2, v9;
	v8 =	vadd.f32 v8, v9;
	[tilespmem:s30+$0x10A00] =	vst v1  }
0xc4: {  	v6 =	vadd.f32 v6, v9;
	v1 =	vld [tilespmem:s31+$0x10A00];
	v7 =	vadd.f32 v7, v9;
	[tilespmem:s30+$0x13200] =	vst v3  }
.Ltmp5:
0xc5: {  	v3 =	vld [tilespmem:s31+$0x13200];
	[tilespmem:s30+$0xE200] =	vst v5;
	(pc) =	sbr.rel @p1 .LBB2_8-.Ltmp5, $4  }
0xc6: {  	v5 =	vld [tilespmem:s31+$0xE200];
	[tilespmem:s30+$0xA600] =	vst v2  }
0xc7: {  	v2 =	vld [tilespmem:s31+$0xA600];
	[tilespmem:s30+$0xBA00] =	vst v4  }
0xc8: {  	v4 =	vld [tilespmem:s31+$0xBA00];
	[tilespmem:s30+$0x11E00] =	vst v6  }
0xc9: {  	s14 =	sshra.s32 s3, $0x2;
	v6 =	vld [tilespmem:s31+$0x11E00];
	[tilespmem:s30+$0xCE00] =	vst v8  }
0xca: {  	v8 =	vld [tilespmem:s31+$0xCE00];
	[tilespmem:s30+$0xF600] =	vst v7  }
0xcb: {  	v7 =	vld [tilespmem:s14+$0x100];
	_ =	sdelay $0x2  }
0xcc: {  	v1 =	vmul.f32 v1, v0  }
0xcd: {  	v3 =	vmul.f32 v3, v0  }
0xce: {  	v5 =	vmul.f32 v5, v0;
	v9 =	vld [tilespmem:s31+$0xF600];
	v1 =	vadd.f32 v1, v7  }
0xcf: {  	v2 =	vmul.f32 v2, v0;
	v3 =	vadd.f32 v3, v7  }
0xd0: {  	v4 =	vmul.f32 v4, v0;
	v5 =	vadd.f32 v5, v7;
	[tilespmem:s31+$0x10A00] =	vst v1  }
0xd1: {  	v2 =	vadd.f32 v2, v7;
	v1 =	vmul.f32 v6, v0;
	[tilespmem:s31+$0x13200] =	vst v3  }
0xd2: {  	v4 =	vadd.f32 v4, v7;
	v3 =	vmul.f32 v8, v0;
	[tilespmem:s31+$0xE200] =	vst v5  }
0xd3: {  	v63 =	vmul.f32 v9, v0;
	[tilespmem:s31+$0xA600] =	vst v2;
	v1 =	vadd.f32 v1, v7  }
0xd4: {  	[tilespmem:s31+$0xBA00] =	vst v4;
	v2 =	vadd.f32 v3, v7  }
0xd5: {  	v3 =	vadd.f32 v63, v7;
	[tilespmem:s31+$0x11E00] =	vst v1  }
0xd6: {  	s0 =	sor.u32 $0xA600, s28;
	[tilespmem:s31+$0xCE00] =	vst v2  }
0xd7: {  	s3 =	simm.s32 $0x10;
	s30 =	sadd.s32 $0x0, s11;
	s14 =	sadd.s32 $0x200, s0;
	[tilespmem:s31+$0xF600] =	vst v3  }
.LBB2_10:
0xd8: {  	[hbm4b:s30+s5] =	stream.linear.scatter [tilespmem:s0], [sflag:$0x3], $0x80, $0x38;
	[tilespmem:$0x1E600] =	vst v63  }
0xd9: {  	s1 =	smov.u32 s3;
	s0 =	smov.u32 s14;
	p1 =	sne.s32 s3, $0x4F0  }
.Ltmp6:
0xda: {  	s3 =	sadd.s32 $0x10, s3;
	(pc) =	sbr.rel @p1 .LBB2_10-.Ltmp6, $2  }
0xdb: {  	_ =	sdelay $0x2  }
0xdc: {  	s14 =	sadd.s32 $0x200, s14;
	s30 =	sadd.s32 s1, s11  }
0xdd: {  	[hbm4b:s30+s5] =	stream.linear.scatter [tilespmem:s0], [sflag:$0x3], $0x80, $0x38;
	[tilespmem:$0x1E600] =	vst v63  }
0xde: {  	s3 =	simm.s32 $0x0  }
0xdf: {  	_ =	swait.ge [sflag:s24], $0xA000;
	s1 =	sand.u32 $0x1E00, s3  }
0xe0: {  	s0 =	sand.u32 $0x70, s3;
	[sflag:s24] =	ssyncset.done $0x0;
	s1 =	sor.u32 s28, s1  }
0xe1: {  	[sflag:s24] =	ssyncadd.s32 $0xFFFF6000;
	s30 =	sadd.s32 s0, s1  }
0xe2: {  	v1 =	vld [tilespmem:s30+$0x1AA00]  }
0xe3: {  	s14 =	simm.s32 $0x0;
	v2 =	vld [tilespmem:s30+$0x1D200]  }
0xe4: {  	v7 =	vld [tilespmem:s14+$0x100]  }
0xe5: {  	v3 =	vld [tilespmem:s30+$0x18200]  }
0xe6: {  	v4 =	vld [tilespmem:s30+$0x14600]  }
0xe7: {  	v5 =	vld [tilespmem:s30+$0x15A00];
	v1 =	vmul.f32 v1, v0  }
0xe8: {  	s3 =	simm.s32 $0x40;
	v6 =	vld [tilespmem:s30+$0x1BE00];
	v2 =	vmul.f32 v2, v0  }
0xe9: {  	s1 =	simm.s32 $0x10;
	v8 =	vld [tilespmem:s30+$0x16E00];
	s14 =	sand.u32 $0x1E00, s3;
	v1 =	vadd.f32 v1, v7  }
0xea: {  	s0 =	sand.u32 $0x70, s1;
	s1 =	sor.u32 s28, s14;
	v3 =	vmul.f32 v3, v0;
	v2 =	vadd.f32 v2, v7  }
0xeb: {  	v9 =	vld [tilespmem:s30+$0x19600];
	s31 =	sadd.s32 s0, s1;
	v4 =	vmul.f32 v4, v0;
	[tilespmem:s30+$0x1AA00] =	vst v1  }
0xec: {  	v10 =	vadd.f32 v3, v7;
	v1 =	vld [tilespmem:s31+$0x1AA00];
	[tilespmem:s30+$0x1D200] =	vst v2;
	v2 =	vmul.f32 v5, v0  }
0xed: {  	v6 =	vmul.f32 v6, v0;
	v4 =	vadd.f32 v4, v7  }
0xee: {  	v8 =	vmul.f32 v8, v0;
	v3 =	vld [tilespmem:s31+$0x1D200];
	[tilespmem:s30+$0x18200] =	vst v10;
	v63 =	vadd.f32 v2, v7  }
0xef: {  	v6 =	vadd.f32 v6, v7;
	v5 =	vld [tilespmem:s31+$0x18200];
	[tilespmem:s30+$0x14600] =	vst v4  }
0xf0: {  	v9 =	vmul.f32 v9, v0;
	v8 =	vadd.f32 v8, v7;
	v2 =	vld [tilespmem:s31+$0x14600];
	[tilespmem:s30+$0x15A00] =	vst v63  }
0xf1: {  	v4 =	vld [tilespmem:s31+$0x15A00];
	[tilespmem:s30+$0x1BE00] =	vst v6  }
0xf2: {  	s14 =	simm.s32 $0x10;
	s0 =	simm.s32 $0x20;
	v7 =	vadd.f32 v9, v7;
	v6 =	vld [tilespmem:s31+$0x1BE00];
	[tilespmem:s30+$0x16E00] =	vst v8  }
.LBB2_12:
0xf3: {  	p1 =	sne.s32 s0, $0x4F0;
	s3 =	sadd.s32 $0x40, s3  }
0xf4: {  	v8 =	vld [tilespmem:s31+$0x16E00];
	[tilespmem:s30+$0x19600] =	vst v7;
	s1 =	smov.u32 s0;
	s0 =	sadd.s32 $0x10, s0;
	s30 =	smov.u32 s31  }
0xf5: {  	v3 =	vmul.f32 v3, v0;
	v9 =	vld [tilespmem:s14+$0x100]  }
0xf6: {  	v5 =	vmul.f32 v5, v0;
	v7 =	vld [tilespmem:s30+$0x19600]  }
0xf7: {  	v1 =	vmul.f32 v1, v0;
	s14 =	sand.u32 $0x1E00, s3  }
0xf8: {  	s1 =	sand.u32 $0x70, s1;
	s14 =	sor.u32 s28, s14;
	v6 =	vmul.f32 v6, v0  }
0xf9: {  	v2 =	vmul.f32 v2, v0;
	s31 =	sadd.s32 s1, s14;
	v4 =	vmul.f32 v4, v0  }
0xfa: {  	v8 =	vmul.f32 v8, v0;
	v1 =	vadd.f32 v1, v9;
	v3 =	vadd.f32 v3, v9  }
0xfb: {  	v4 =	vadd.f32 v4, v9;
	v5 =	vadd.f32 v5, v9;
	v7 =	vmul.f32 v7, v0  }
0xfc: {  	v2 =	vadd.f32 v2, v9;
	v8 =	vadd.f32 v8, v9;
	[tilespmem:s30+$0x1AA00] =	vst v1  }
0xfd: {  	v6 =	vadd.f32 v6, v9;
	v1 =	vld [tilespmem:s31+$0x1AA00];
	v7 =	vadd.f32 v7, v9;
	[tilespmem:s30+$0x1D200] =	vst v3  }
.Ltmp7:
0xfe: {  	v3 =	vld [tilespmem:s31+$0x1D200];
	[tilespmem:s30+$0x18200] =	vst v5;
	(pc) =	sbr.rel @p1 .LBB2_12-.Ltmp7, $4  }
0xff: {  	v5 =	vld [tilespmem:s31+$0x18200];
	[tilespmem:s30+$0x14600] =	vst v2  }
0x100: {  	v2 =	vld [tilespmem:s31+$0x14600];
	[tilespmem:s30+$0x15A00] =	vst v4  }
0x101: {  	v4 =	vld [tilespmem:s31+$0x15A00];
	[tilespmem:s30+$0x1BE00] =	vst v6  }
0x102: {  	s14 =	sshra.s32 s3, $0x2;
	v6 =	vld [tilespmem:s31+$0x1BE00];
	[tilespmem:s30+$0x16E00] =	vst v8  }
0x103: {  	v8 =	vld [tilespmem:s31+$0x16E00];
	[tilespmem:s30+$0x19600] =	vst v7  }
0x104: {  	v7 =	vld [tilespmem:s14+$0x100];
	_ =	sdelay $0x2  }
0x105: {  	v1 =	vmul.f32 v1, v0  }
0x106: {  	v3 =	vmul.f32 v3, v0  }
0x107: {  	v5 =	vmul.f32 v5, v0;
	v9 =	vld [tilespmem:s31+$0x19600];
	v1 =	vadd.f32 v1, v7  }
0x108: {  	v2 =	vmul.f32 v2, v0;
	v3 =	vadd.f32 v3, v7  }
0x109: {  	v4 =	vmul.f32 v4, v0;
	v5 =	vadd.f32 v5, v7;
	[tilespmem:s31+$0x1AA00] =	vst v1  }
0x10a: {  	v2 =	vadd.f32 v2, v7;
	v1 =	vmul.f32 v6, v0;
	[tilespmem:s31+$0x1D200] =	vst v3  }
0x10b: {  	v4 =	vadd.f32 v4, v7;
	v3 =	vmul.f32 v8, v0;
	[tilespmem:s31+$0x18200] =	vst v5  }
0x10c: {  	v63 =	vmul.f32 v9, v0;
	[tilespmem:s31+$0x14600] =	vst v2;
	v1 =	vadd.f32 v1, v7  }
0x10d: {  	[tilespmem:s31+$0x15A00] =	vst v4;
	v2 =	vadd.f32 v3, v7  }
0x10e: {  	v3 =	vadd.f32 v63, v7;
	[tilespmem:s31+$0x1BE00] =	vst v1  }
0x10f: {  	s0 =	sor.u32 $0x14600, s28;
	[tilespmem:s31+$0x16E00] =	vst v2  }
0x110: {  	s3 =	simm.s32 $0x10;
	s30 =	sadd.s32 $0x0, s12;
	s14 =	sadd.s32 $0x200, s0;
	[tilespmem:s31+$0x19600] =	vst v3  }
.LBB2_14:
0x111: {  	[hbm4b:s30+s5] =	stream.linear.scatter [tilespmem:s0], [sflag:$0x3], $0x80, $0x38;
	[tilespmem:$0x1E600] =	vst v63  }
0x112: {  	s1 =	smov.u32 s3;
	s0 =	smov.u32 s14;
	p1 =	sne.s32 s3, $0x4F0  }
.Ltmp8:
0x113: {  	s3 =	sadd.s32 $0x10, s3;
	(pc) =	sbr.rel @p1 .LBB2_14-.Ltmp8, $2  }
0x114: {  	_ =	sdelay $0x2  }
0x115: {  	s14 =	sadd.s32 $0x200, s14;
	s30 =	sadd.s32 s1, s12  }
0x116: {  	[hbm4b:s30+s5] =	stream.linear.scatter [tilespmem:s0], [sflag:$0x3], $0x80, $0x38;
	[tilespmem:$0x1E600] =	vst v63  }
0x117: {  	s3 =	simm.s32 $0x0  }
0x118: {  	_ =	swait.ge [sflag:s24], $0xA000;
	s1 =	sand.u32 $0x1E00, s3  }
0x119: {  	s0 =	sand.u32 $0x70, s3;
	[sflag:s24] =	ssyncset.done $0x0;
	s1 =	sor.u32 s28, s1  }
0x11a: {  	[sflag:s24] =	ssyncadd.s32 $0xFFFF6000;
	s30 =	sadd.s32 s0, s1  }
0x11b: {  	v1 =	vld [tilespmem:s30+$0x6A00]  }
0x11c: {  	s14 =	simm.s32 $0x0;
	v2 =	vld [tilespmem:s30+$0x9200]  }
0x11d: {  	v7 =	vld [tilespmem:s14+$0x100]  }
0x11e: {  	v3 =	vld [tilespmem:s30+$0x4200]  }
0x11f: {  	v4 =	vld [tilespmem:s30+$0x600]  }
0x120: {  	v5 =	vld [tilespmem:s30+$0x1A00];
	v1 =	vmul.f32 v1, v0  }
0x121: {  	s3 =	simm.s32 $0x40;
	v6 =	vld [tilespmem:s30+$0x7E00];
	v2 =	vmul.f32 v2, v0  }
0x122: {  	s1 =	simm.s32 $0x10;
	v8 =	vld [tilespmem:s30+$0x2E00];
	s14 =	sand.u32 $0x1E00, s3;
	v1 =	vadd.f32 v1, v7  }
0x123: {  	s0 =	sand.u32 $0x70, s1;
	s1 =	sor.u32 s28, s14;
	v3 =	vmul.f32 v3, v0;
	v2 =	vadd.f32 v2, v7  }
0x124: {  	v9 =	vld [tilespmem:s30+$0x5600];
	s31 =	sadd.s32 s0, s1;
	v4 =	vmul.f32 v4, v0;
	[tilespmem:s30+$0x6A00] =	vst v1  }
0x125: {  	v10 =	vadd.f32 v3, v7;
	v1 =	vld [tilespmem:s31+$0x6A00];
	[tilespmem:s30+$0x9200] =	vst v2;
	v2 =	vmul.f32 v5, v0  }
0x126: {  	v6 =	vmul.f32 v6, v0;
	v4 =	vadd.f32 v4, v7  }
0x127: {  	v8 =	vmul.f32 v8, v0;
	v3 =	vld [tilespmem:s31+$0x9200];
	[tilespmem:s30+$0x4200] =	vst v10;
	v63 =	vadd.f32 v2, v7  }
0x128: {  	v6 =	vadd.f32 v6, v7;
	v5 =	vld [tilespmem:s31+$0x4200];
	[tilespmem:s30+$0x600] =	vst v4  }
0x129: {  	v9 =	vmul.f32 v9, v0;
	v8 =	vadd.f32 v8, v7;
	v2 =	vld [tilespmem:s31+$0x600];
	[tilespmem:s30+$0x1A00] =	vst v63  }
0x12a: {  	v4 =	vld [tilespmem:s31+$0x1A00];
	[tilespmem:s30+$0x7E00] =	vst v6  }
0x12b: {  	s14 =	simm.s32 $0x10;
	s0 =	simm.s32 $0x20;
	v7 =	vadd.f32 v9, v7;
	v6 =	vld [tilespmem:s31+$0x7E00];
	[tilespmem:s30+$0x2E00] =	vst v8  }
.LBB2_16:
0x12c: {  	p1 =	sne.s32 s0, $0x4F0;
	s3 =	sadd.s32 $0x40, s3  }
0x12d: {  	v8 =	vld [tilespmem:s31+$0x2E00];
	[tilespmem:s30+$0x5600] =	vst v7;
	s1 =	smov.u32 s0;
	s0 =	sadd.s32 $0x10, s0;
	s30 =	smov.u32 s31  }
0x12e: {  	v3 =	vmul.f32 v3, v0;
	v9 =	vld [tilespmem:s14+$0x100]  }
0x12f: {  	v5 =	vmul.f32 v5, v0;
	v7 =	vld [tilespmem:s30+$0x5600]  }
0x130: {  	v1 =	vmul.f32 v1, v0;
	s14 =	sand.u32 $0x1E00, s3  }
0x131: {  	s1 =	sand.u32 $0x70, s1;
	s14 =	sor.u32 s28, s14;
	v6 =	vmul.f32 v6, v0  }
0x132: {  	v2 =	vmul.f32 v2, v0;
	s31 =	sadd.s32 s1, s14;
	v4 =	vmul.f32 v4, v0  }
0x133: {  	v8 =	vmul.f32 v8, v0;
	v1 =	vadd.f32 v1, v9;
	v3 =	vadd.f32 v3, v9  }
0x134: {  	v4 =	vadd.f32 v4, v9;
	v5 =	vadd.f32 v5, v9;
	v7 =	vmul.f32 v7, v0  }
0x135: {  	v2 =	vadd.f32 v2, v9;
	v8 =	vadd.f32 v8, v9;
	[tilespmem:s30+$0x6A00] =	vst v1  }
0x136: {  	v6 =	vadd.f32 v6, v9;
	v1 =	vld [tilespmem:s31+$0x6A00];
	v7 =	vadd.f32 v7, v9;
	[tilespmem:s30+$0x9200] =	vst v3  }
.Ltmp9:
0x137: {  	v3 =	vld [tilespmem:s31+$0x9200];
	[tilespmem:s30+$0x4200] =	vst v5;
	(pc) =	sbr.rel @p1 .LBB2_16-.Ltmp9, $4  }
0x138: {  	v5 =	vld [tilespmem:s31+$0x4200];
	[tilespmem:s30+$0x600] =	vst v2  }
0x139: {  	v2 =	vld [tilespmem:s31+$0x600];
	[tilespmem:s30+$0x1A00] =	vst v4  }
0x13a: {  	v4 =	vld [tilespmem:s31+$0x1A00];
	[tilespmem:s30+$0x7E00] =	vst v6  }
0x13b: {  	s14 =	sshra.s32 s3, $0x2;
	v6 =	vld [tilespmem:s31+$0x7E00];
	[tilespmem:s30+$0x2E00] =	vst v8  }
0x13c: {  	v8 =	vld [tilespmem:s31+$0x2E00];
	[tilespmem:s30+$0x5600] =	vst v7  }
0x13d: {  	v7 =	vld [tilespmem:s14+$0x100];
	_ =	sdelay $0x2  }
0x13e: {  	v1 =	vmul.f32 v1, v0  }
0x13f: {  	v3 =	vmul.f32 v3, v0  }
0x140: {  	v5 =	vmul.f32 v5, v0;
	v9 =	vld [tilespmem:s31+$0x5600];
	v1 =	vadd.f32 v1, v7  }
0x141: {  	v2 =	vmul.f32 v2, v0;
	v3 =	vadd.f32 v3, v7  }
0x142: {  	v4 =	vmul.f32 v4, v0;
	v5 =	vadd.f32 v5, v7;
	[tilespmem:s31+$0x6A00] =	vst v1  }
0x143: {  	v2 =	vadd.f32 v2, v7;
	v1 =	vmul.f32 v6, v0;
	[tilespmem:s31+$0x9200] =	vst v3  }
0x144: {  	v4 =	vadd.f32 v4, v7;
	v3 =	vmul.f32 v8, v0;
	[tilespmem:s31+$0x4200] =	vst v5  }
0x145: {  	v63 =	vmul.f32 v9, v0;
	[tilespmem:s31+$0x600] =	vst v2;
	v1 =	vadd.f32 v1, v7  }
0x146: {  	[tilespmem:s31+$0x1A00] =	vst v4;
	v2 =	vadd.f32 v3, v7  }
0x147: {  	v3 =	vadd.f32 v63, v7;
	[tilespmem:s31+$0x7E00] =	vst v1  }
0x148: {  	s0 =	simm.s32 $0x10;
	[tilespmem:s31+$0x2E00] =	vst v2  }
0x149: {  	s30 =	sadd.s32 $0x0, s13;
	s3 =	sadd.s32 $0x200, s29;
	s14 =	smov.u32 s29;
	[tilespmem:s31+$0x5600] =	vst v3  }
.LBB2_18:
0x14a: {  	[hbm4b:s30+s5] =	stream.linear.scatter [tilespmem:s14], [sflag:$0x3], $0x80, $0x38;
	[tilespmem:$0x1E600] =	vst v63  }
0x14b: {  	s1 =	smov.u32 s0;
	s14 =	smov.u32 s3;
	p1 =	sne.s32 s0, $0x4F0  }
.Ltmp10:
0x14c: {  	s0 =	sadd.s32 $0x10, s0;
	(pc) =	sbr.rel @p1 .LBB2_18-.Ltmp10, $2  }
0x14d: {  	_ =	sdelay $0x2  }
0x14e: {  	s3 =	sadd.s32 $0x200, s3;
	s30 =	sadd.s32 s1, s13  }
.Ltmp11:
0x14f: {  	(pc) =	sbr.rel @p0 .LBB2_23-.Ltmp11, $2  }
0x150: {  	_ =	sdelay $0x2  }
0x151: {  	[hbm4b:s30+s5] =	stream.linear.scatter [tilespmem:s14], [sflag:$0x3], $0x80, $0x38;
	[tilespmem:$0x1E600] =	vst v63  }
0x152: {  	s0 =	simm.s32 $0x0;
	v1 =	vmov s28;
	s1 =	rddreg [dreg:$0x6]  }
0x153: {  	[tilespmem:s17], [sflag:$0x1] =	stream.linear.gather [hbm4b:s1+s0], $0x1400, $0x38;
	[tilespmem:$0x1E600] =	vst v63  }
0x154: {  	_ =	swait.ge [sflag:s24], $0x1400  }
0x155: {  	s14 =	sand.u32 $0x70, s0;
	s0 =	sand.u32 $0x1E00, s0;
	[sflag:s24] =	ssyncset.done $0x0  }
0x156: {  	s0 =	sor.u32 s14, s0;
	[sflag:s24] =	ssyncadd.s32 $0xFFFFEC00  }
0x157: {  	v2 =	vld.idx.msk [tilespmem:v1+s0+$0x600 ss:$0x1], $0xffff  }
0x158: {  	s3 =	simm.s32 $0x0  }
0x159: {  	v3 =	vld [tilespmem:s3+$0x100];
	_ =	sdelay $0x2  }
0x15a: {  	v2 =	vmul.f32 v2, v0;
	_ =	sdelay $0x1  }
0x15b: {  	s14 =	simm.s32 $0x10;
	s3 =	simm.s32 $0x40;
	v2 =	vadd.f32 v2, v3  }
0x15c: {  	s30 =	simm.s32 $0x20;
	s14 =	sand.u32 $0x70, s14;
	s31 =	sand.u32 $0x1E00, s3  }
.LBB2_21:
0x15d: {  	p1 =	sne.s32 s30, $0x4F0;
	[tilespmem:v1+s0+$0x600 ss:$0x1] =	vst.idx.msk $0xffff, v2;
	s0 =	sor.u32 s14, s31  }
0x15e: {  	v2 =	vld.idx.msk [tilespmem:v1+s0+$0x600 ss:$0x1], $0xffff;
	_ =	sdelay $0x1  }
0x15f: {  	s1 =	sshra.s32 s3, $0x2  }
0x160: {  	v3 =	vld [tilespmem:s1+$0x100];
	_ =	sdelay $0x1  }
.Ltmp12:
0x161: {  	(pc) =	sbr.rel @p1 .LBB2_21-.Ltmp12, $3  }
0x162: {  	v2 =	vmul.f32 v2, v0;
	_ =	sdelay $0x1  }
0x163: {  	s3 =	sadd.s32 $0x40, s3;
	v2 =	vadd.f32 v2, v3  }
0x164: {  	s14 =	sand.u32 $0x70, s30;
	s30 =	sadd.s32 $0x10, s30;
	s31 =	sand.u32 $0x1E00, s3  }
.Ltmp13:
0x165: {  	_ = 	snop;
	(pc) =	sbr.rel .LBB2_22-.Ltmp13, $1  }
0x166: {  	_ =	sdelay $0x3  }
.LBB2_24:
0x167: {  	_ =	sfence.sel $0x180000  }
0x168: {  	[bflag:$0x0] =	sbarrier.arrive $0xFFFF  }
0x169: {  	_ =	strace $0x90000047  }
0x16a: {  	s0 =	stileid.u32;
	[bflag:$0x2] =	sbarrier.arrive $0xFFFF  }
0x16b: {  	p0 =	sne.s32 s0, $0x0;
	s0 =	rddreg [dreg:$0x5]  }
0x16c: {  	s0 =	sadd.s32 @!p0 $0x100000, s0  }
0x16d: {  	[sflag:s0] =	ssyncadd.tile.s32 @!p0 $0x1;
	_ =	shalt  }
.Lfunc_end2:
_tile_overlayer_lowered:
.L_overlay_start_2:
0x16e: {  	(tag) =	ssettag $0x2  }
0x16f: {  	s0 =	rddreg [dreg:$0x0];
	s2 =	stileid.u32  }
0x170: {  	s1 =	rddreg [dreg:$0x1];
	p0 =	sne.s32 s2, $0x0  }
0x171: {  	s3 =	rddreg [dreg:$0x2];
	[bflag:$0x3] =	sbarrier.arrive $0xFFFF;
	s2 =	simm.s32 @!p0 $0x1C04  }
0x172: {  	[timem:s3], [sflag:s2] =	dma.local @!p0 [hbm:s0], s1  }
0x173: {  	s0 =	simm.s32 @!p0 $0x4  }
0x174: {  	_ =	swait.ge @!p0 [sflag:s0], s1  }
0x175: {  	s1 =	ssub.s32 @!p0 $0x0, s1;
	[sflag:s0] =	ssyncset.done @!p0 $0x0  }
0x176: {  	[sflag:s0] =	ssyncadd.s32 @!p0 s1  }
0x177: {  	[bflag:$0x3] =	sbarrier.arrive $0xFFFF  }
0x178: {  	_ =	shalt  }

</sc_bundles>
